<compile_context>
chip_gen: v7x
topology: tpu7x:2x2x1
jax: 0.10.2.dev20260603
libtpu: 0.0.44.dev20260713+nightly
codegen_flags: <defaults>
</compile_context>

<pallas_src>
import functools
import jax
import jax.numpy as jnp
from jax import lax
from jax.experimental import pallas as pl
from jax.experimental.pallas import tpu as pltpu
from jax.experimental.pallas import tpu_sc as plsc

N = 10000
E = 320000
F = 128
H = 128
C = 47
CP = 64

BLK = 5000

_info = plsc.get_sparse_core_info()
NC = _info.num_cores
NS = _info.num_subcores
NW = NC * NS
CHUNK = 128
NCH = 80
E2 = NW * NCH * CHUNK
NP = 10240
RP = NP // NS


def _make_seg_sum(D):
    mesh = plsc.VectorSubcoreMesh(core_axis_name="c", subcore_axis_name="s")

    @functools.partial(
        pl.kernel,
        mesh=mesh,
        out_type=jax.ShapeDtypeStruct((NC * NP, D), jnp.float32),
        scratch_types=[
            pltpu.VMEM((NCH, CHUNK), jnp.int32),
            pltpu.VMEM((CHUNK,), jnp.int32),
            pltpu.VMEM((CHUNK,), jnp.int32),
            pltpu.VMEM((CHUNK,), jnp.int32),
            pltpu.VMEM((CHUNK,), jnp.int32),
            pltpu.VMEM((CHUNK, D), jnp.float32),
            pltpu.VMEM((CHUNK, D), jnp.float32),
            pltpu.VMEM_SHARED((NP, D), jnp.float32),
            pltpu.SemaphoreType.DMA,
            pltpu.SemaphoreType.DMA,
            pltpu.SemaphoreType.DMA,
            pltpu.SemaphoreType.DMA,
            pltpu.SemaphoreType.DMA,
            pltpu.SemaphoreType.DMA,
            pltpu.SemaphoreType.DMA,
            pltpu.SemaphoreType.DMA,
        ],
    )
    def seg_sum(vals_hbm, src_hbm, dst_hbm, zeros_hbm, out_hbm,
                dst_slab, s0, s1, s2, s3, r0, r1, acc,
                g0, g1, c0, c1, i0, i1, i2, i3):
        srcb = [s0, s1, s2, s3]
        rows = [r0, r1]
        gsem = [g0, g1]
        ssem = [c0, c1]
        isem = [i0, i1, i2, i3]
        cid = lax.axis_index("c")
        sid = lax.axis_index("s")
        wid = sid * NC + cid
        base = wid * (NCH * CHUNK)

        def src_load(j, sl):
            pltpu.async_copy(src_hbm.at[pl.ds(base + j * CHUNK, CHUNK)],
                             srcb[sl], isem[sl])

        def src_wait(sl):
            pltpu.make_async_copy(src_hbm.at[pl.ds(0, CHUNK)],
                                  srcb[sl], isem[sl]).wait()

        def gather(sl, b):
            pltpu.async_copy(vals_hbm.at[srcb[sl]], rows[b], gsem[b])

        def gather_wait(sl, b):
            pltpu.make_async_copy(vals_hbm.at[srcb[sl]],
                                  rows[b], gsem[b]).wait()

        def scatter(j, b):
            pltpu.async_copy(rows[b], acc.at[dst_slab.at[j]],
                             ssem[b], add=True)

        def scatter_wait(b):
            pltpu.make_async_copy(rows[b], acc.at[dst_slab.at[0]],
                                  ssem[b]).wait()

        zcp0 = pltpu.make_async_copy(
            zeros_hbm.at[pl.ds(sid * RP, RP // 2)],
            acc.at[pl.ds(sid * RP, RP // 2)], c0)
        zcp0.start()
        zcp1 = pltpu.make_async_copy(
            zeros_hbm.at[pl.ds(sid * RP + RP // 2, RP // 2)],
            acc.at[pl.ds(sid * RP + RP // 2, RP // 2)], c1)
        zcp1.start()
        src_load(0, 0)
        src_load(1, 1)
        src_load(2, 2)
        pltpu.sync_copy(dst_hbm.at[wid], dst_slab)
        src_wait(0)
        gather(0, 0)
        src_load(3, 3)
        zcp0.wait()
        zcp1.wait()
        plsc.subcore_barrier()

        def body(i, carry):
            for u in range(4):
                j = 4 * i + u + 1

                def gather_side(with_ssem_wait, u=u):
                    if with_ssem_wait:
                        scatter_wait((u + 1) % 2)
                    src_wait((u + 1) % 4)
                    gather((u + 1) % 4, (u + 1) % 2)

                if u == 3:
                    @pl.when(i < NCH // 4 - 1)
                    def _(gs=gather_side):
                        gs(True)
                elif u == 0:
                    @pl.when(i > 0)
                    def _(gs=gather_side):
                        gs(True)

                    @pl.when(i == 0)
                    def _(gs=gather_side):
                        gs(False)
                else:
                    gather_side(True)

                gather_wait(u % 4, u % 2)
                scatter(j - 1, u % 2)

                @pl.when(j + 3 < NCH)
                def _(j=j, u=u):
                    src_load(j + 3, u % 4)
            return carry

        lax.fori_loop(0, NCH // 4, body, 0)
        scatter_wait(0)
        scatter_wait(1)
        plsc.subcore_barrier()
        pltpu.sync_copy(acc.at[pl.ds(sid * RP, RP)],
                        out_hbm.at[pl.ds(cid * NP + sid * RP, RP)])

    return seg_sum


_seg_sum_full = _make_seg_sum(H)


def _dense_body(x_ref, p0_ref, p1_ref, wa_ref, wb_ref, b_ref, o_ref):
    z = jnp.dot(x_ref[...], wa_ref[...], preferred_element_type=jnp.float32)
    z = z + jnp.dot(p0_ref[...] + p1_ref[...], wb_ref[...],
                    preferred_element_type=jnp.float32)
    z = z + b_ref[...]
    o_ref[...] = jnp.maximum(z, 0.0)


def _dense_relu(x, p0, p1, wa, wb, b):
    grid = (N // BLK,)
    return pl.pallas_call(
        _dense_body,
        grid=grid,
        in_specs=[
            pl.BlockSpec((BLK, F), lambda i: (i, 0)),
            pl.BlockSpec((BLK, F), lambda i: (i, 0)),
            pl.BlockSpec((BLK, F), lambda i: (i, 0)),
            pl.BlockSpec((F, H), lambda i: (0, 0)),
            pl.BlockSpec((F, H), lambda i: (0, 0)),
            pl.BlockSpec((1, H), lambda i: (0, 0)),
        ],
        out_specs=pl.BlockSpec((BLK, H), lambda i: (i, 0)),
        out_shape=jax.ShapeDtypeStruct((N, H), jnp.float32),
    )(x, p0, p1, wa, wb, b.reshape(1, H))


def _final_body(x_ref, q0_ref, q1_ref, wa_ref, wb_ref, b_ref, o_ref):
    z = jnp.dot(x_ref[...], wa_ref[...], preferred_element_type=jnp.float32)
    z = z + jnp.dot(q0_ref[...] + q1_ref[...], wb_ref[...],
                    preferred_element_type=jnp.float32)
    z = z + b_ref[...]
    col = jax.lax.broadcasted_iota(jnp.int32, (BLK, CP), 1)
    z = jnp.where(col < C, z, -jnp.inf)
    m = jnp.max(z, axis=-1, keepdims=True)
    lse = jnp.log(jnp.sum(jnp.exp(z - m), axis=-1, keepdims=True))
    o_ref[...] = z - m - lse


def _final(h, q0, q1, wa, wb, b):
    grid = (N // BLK,)
    return pl.pallas_call(
        _final_body,
        grid=grid,
        in_specs=[
            pl.BlockSpec((BLK, H), lambda i: (i, 0)),
            pl.BlockSpec((BLK, H), lambda i: (i, 0)),
            pl.BlockSpec((BLK, H), lambda i: (i, 0)),
            pl.BlockSpec((H, CP), lambda i: (0, 0)),
            pl.BlockSpec((H, CP), lambda i: (0, 0)),
            pl.BlockSpec((1, CP), lambda i: (0, 0)),
        ],
        out_specs=pl.BlockSpec((BLK, CP), lambda i: (i, 0)),
        out_shape=jax.ShapeDtypeStruct((N, CP), jnp.float32),
    )(h, q0, q1, wa, wb, b)


def kernel(x, edge_index, W1, b1, W2, b2, W3, b3):
    ar = jnp.arange(E2 - E, dtype=jnp.int32)
    src = jnp.concatenate([edge_index[0], ar % N])
    dst = jnp.concatenate([edge_index[1], N + ar % (NP - N)]).reshape(NW, NCH, CHUNK)

    W1a, W1b = W1[:F], W1[F:]
    W2a, W2b = W2[:H], W2[H:]
    W3a = jnp.pad(W3[:H], ((0, 0), (0, CP - C)))
    W3b = jnp.pad(W3[H:], ((0, 0), (0, CP - C)))
    b3p = jnp.pad(b3, (0, CP - C)).reshape(1, CP)

    zeros_h = jnp.zeros((NP, H), jnp.float32)

    p1 = _seg_sum_full(x, src, dst, zeros_h)
    h1 = _dense_relu(x, p1[:N], p1[NP:NP + N], W1a, W1b, b1)

    p2 = _seg_sum_full(h1, src, dst, zeros_h)
    h2 = _dense_relu(h1, p2[:N], p2[NP:NP + N], W2a, W2b, b2)

    p3 = _seg_sum_full(h2, src, dst, zeros_h)
    out = _final(h2, p3[:N], p3[NP:NP + N], W3a, W3b, b3p)
    return out[:, :C]

# --- scband reference (transcript-rebuilt; emitter-appended) ---
"""Pipeline reference for scband-sage-31181462569096 (READ-ONLY COPY).

The authoritative reference and input builder live on the scoring server;
editing this copy changes nothing except your own understanding.
"""

import jax, jax.numpy as jnp
import numpy as np

N, E, F_IN, H, C = 10000, 320000, 128, 128, 47


def sage_conv(x, src, dst, W, b):
    # message = x_j (edge_weight is None); aggr='add' scatter-sum at dst
    msgs = x[src]
    aggr = jax.ops.segment_sum(msgs, dst, num_segments=x.shape[0])
    # concat=True: cat([x_root, aggr]) then linear
    h = jnp.concatenate([x, aggr], axis=-1)
    return h @ W + b


def setup_inputs(seed: int = 0) -> dict:
    key = jax.random.key(seed)
    ks = jax.random.split(key, 8)
    x = jax.random.normal(ks[0], (N, F_IN), dtype=jnp.float32)
    edge_index = jax.random.randint(ks[1], (2, E), 0, N, dtype=jnp.int32)
    # Linear weights for SAGEConv(concat=True): in = 2*in_channels
    W1 = jax.random.normal(ks[2], (2 * F_IN, H), dtype=jnp.float32) * (1.0 / np.sqrt(2 * F_IN))
    b1 = jnp.zeros((H,), dtype=jnp.float32)
    W2 = jax.random.normal(ks[3], (2 * H, H), dtype=jnp.float32) * (1.0 / np.sqrt(2 * H))
    b2 = jnp.zeros((H,), dtype=jnp.float32)
    W3 = jax.random.normal(ks[4], (2 * H, C), dtype=jnp.float32) * (1.0 / np.sqrt(2 * H))
    b3 = jnp.zeros((C,), dtype=jnp.float32)
    return {"x": x, "edge_index": edge_index, "W1": W1, "b1": b1, "W2": W2, "b2": b2, "W3": W3, "b3": b3}


def reference(x, edge_index, W1, b1, W2, b2, W3, b3):
    src = edge_index[0]
    dst = edge_index[1]
    h = sage_conv(x, src, dst, W1, b1)
    h = jax.nn.relu(h)
    # dropout p=0.5: identity in eval / deterministic reference
    h = sage_conv(h, src, dst, W2, b2)
    h = jax.nn.relu(h)
    h = sage_conv(h, src, dst, W3, b3)
    return jax.nn.log_softmax(h, axis=-1)

if __name__ == "__main__":
    import jax
    _d = setup_inputs()
    print(jax.jit(kernel)(*tuple(_d.values())))

</pallas_src>

<mosaic_0001>
#map = affine_map<(d0, d1) -> (0, 0)>
#map1 = affine_map<(d0, d1) -> (0)>
#map2 = affine_map<(d0, d1) -> (0, 0, 0)>
module attributes {stable_mosaic.version = 14 : i64} {
  func.func @seg_sum(%arg0: i32, %arg1: i32, %arg2: memref<10000x128xf32, #tpu.memory_space<hbm>>, %arg3: memref<327680xi32, #tpu.memory_space<hbm>>, %arg4: memref<32x80x128xi32, #tpu.memory_space<hbm>>, %arg5: memref<10240x128xf32, #tpu.memory_space<hbm>>, %arg6: memref<20480x128xf32, #tpu.memory_space<hbm>>, %arg7: memref<80x128xi32, #tpu.memory_space<vmem>>, %arg8: memref<128xi32, #tpu.memory_space<vmem>>, %arg9: memref<128xi32, #tpu.memory_space<vmem>>, %arg10: memref<128xi32, #tpu.memory_space<vmem>>, %arg11: memref<128xi32, #tpu.memory_space<vmem>>, %arg12: memref<128x128xf32, #tpu.memory_space<vmem>>, %arg13: memref<128x128xf32, #tpu.memory_space<vmem>>, %arg14: memref<10240x128xf32, #tpu.memory_space<vmem_shared>>, %arg15: memref<!tpu.dma_semaphore, #tpu.memory_space<semaphore_mem>>, %arg16: memref<!tpu.dma_semaphore, #tpu.memory_space<semaphore_mem>>, %arg17: memref<!tpu.dma_semaphore, #tpu.memory_space<semaphore_mem>>, %arg18: memref<!tpu.dma_semaphore, #tpu.memory_space<semaphore_mem>>, %arg19: memref<!tpu.dma_semaphore, #tpu.memory_space<semaphore_mem>>, %arg20: memref<!tpu.dma_semaphore, #tpu.memory_space<semaphore_mem>>, %arg21: memref<!tpu.dma_semaphore, #tpu.memory_space<semaphore_mem>>, %arg22: memref<!tpu.dma_semaphore, #tpu.memory_space<semaphore_mem>>) attributes {dimension_semantics = [#tpu.dimension_semantics<core_parallel>, #tpu.dimension_semantics<subcore_parallel>], iteration_bounds = array<i64: 2, 16>, scalar_prefetch = 0 : i64, scratch_operands = 16 : i64, tpu.core_type = #tpu.core_type<sc_vector_subcore>, window_params = [{transform_indices = #map}, {transform_indices = #map1}, {transform_indices = #map2}, {transform_indices = #map}, {transform_indices = #map}]} {
    %mul3A = arith.constant 2 : i32
    %mul3A_0 = arith.muli %arg1, %mul3A : i32
    %add3A = arith.addi %mul3A_0, %arg0 : i32
    %mul3A_1 = arith.constant 10240 : i32
    %mul3A_2 = arith.muli %add3A, %mul3A_1 : i32
    %mul3A_3 = arith.constant 640 : i32
    %mul3A_4 = arith.muli %arg1, %mul3A_3 : i32
    %mul3A_5 = arith.constant 640 : i32
    %mul3A_6 = arith.muli %arg1, %mul3A_5 : i32
    %dma_start3A = arith.constant 0 : i32
    %dma_start3A_7 = tpu.memref_slice %arg14[%mul3A_6, %dma_start3A] : memref<10240x128xf32, #tpu.memory_space<vmem_shared>> -> memref<320x128xf32, #tpu.memory_space<vmem_shared>>
    %dma_start3A_8 = arith.constant 0 : i32
    %dma_start3A_9 = tpu.memref_slice %arg5[%mul3A_4, %dma_start3A_8] : memref<10240x128xf32, #tpu.memory_space<hbm>> -> memref<320x128xf32, #tpu.memory_space<hbm>>
    tpu.enqueue_dma source(%dma_start3A_9 : memref<320x128xf32, #tpu.memory_space<hbm>>) target(%dma_start3A_7 : memref<320x128xf32, #tpu.memory_space<vmem_shared>>) target_semaphore(%arg17 : memref<!tpu.dma_semaphore, #tpu.memory_space<semaphore_mem>>)
    %mul3A_10 = arith.constant 640 : i32
    %mul3A_11 = arith.muli %arg1, %mul3A_10 : i32
    %add3A_12 = arith.constant 320 : i32
    %add3A_13 = arith.addi %mul3A_11, %add3A_12 : i32
    %mul3A_14 = arith.constant 640 : i32
    %mul3A_15 = arith.muli %arg1, %mul3A_14 : i32
    %add3A_16 = arith.constant 320 : i32
    %add3A_17 = arith.addi %mul3A_15, %add3A_16 : i32
    %dma_start3A_18 = arith.constant 0 : i32
    %dma_start3A_19 = tpu.memref_slice %arg14[%add3A_17, %dma_start3A_18] : memref<10240x128xf32, #tpu.memory_space<vmem_shared>> -> memref<320x128xf32, #tpu.memory_space<vmem_shared>>
    %dma_start3A_20 = arith.constant 0 : i32
    %dma_start3A_21 = tpu.memref_slice %arg5[%add3A_13, %dma_start3A_20] : memref<10240x128xf32, #tpu.memory_space<hbm>> -> memref<320x128xf32, #tpu.memory_space<hbm>>
    tpu.enqueue_dma source(%dma_start3A_21 : memref<320x128xf32, #tpu.memory_space<hbm>>) target(%dma_start3A_19 : memref<320x128xf32, #tpu.memory_space<vmem_shared>>) target_semaphore(%arg18 : memref<!tpu.dma_semaphore, #tpu.memory_space<semaphore_mem>>)
    %add3A_22 = arith.constant 0 : i32
    %add3A_23 = arith.addi %mul3A_2, %add3A_22 : i32
    %dma_start3A_24 = tpu.memref_slice %arg3[%add3A_23] : memref<327680xi32, #tpu.memory_space<hbm>> -> memref<128xi32, #tpu.memory_space<hbm>>
    %dma_start3A_25 = tpu.memref_slice %arg3[%add3A_23] : memref<327680xi32, #tpu.memory_space<hbm>> -> memref<128xi32, #tpu.memory_space<hbm>>
    tpu.enqueue_dma source(%dma_start3A_25 : memref<128xi32, #tpu.memory_space<hbm>>) target(%arg8 : memref<128xi32, #tpu.memory_space<vmem>>) target_semaphore(%arg19 : memref<!tpu.dma_semaphore, #tpu.memory_space<semaphore_mem>>)
    %add3A_26 = arith.constant 128 : i32
    %add3A_27 = arith.addi %mul3A_2, %add3A_26 : i32
    %dma_start3A_28 = tpu.memref_slice %arg3[%add3A_27] : memref<327680xi32, #tpu.memory_space<hbm>> -> memref<128xi32, #tpu.memory_space<hbm>>
    %dma_start3A_29 = tpu.memref_slice %arg3[%add3A_27] : memref<327680xi32, #tpu.memory_space<hbm>> -> memref<128xi32, #tpu.memory_space<hbm>>
    tpu.enqueue_dma source(%dma_start3A_29 : memref<128xi32, #tpu.memory_space<hbm>>) target(%arg9 : memref<128xi32, #tpu.memory_space<vmem>>) target_semaphore(%arg20 : memref<!tpu.dma_semaphore, #tpu.memory_space<semaphore_mem>>)
    %add3A_30 = arith.constant 256 : i32
    %add3A_31 = arith.addi %mul3A_2, %add3A_30 : i32
    %dma_start3A_32 = tpu.memref_slice %arg3[%add3A_31] : memref<327680xi32, #tpu.memory_space<hbm>> -> memref<128xi32, #tpu.memory_space<hbm>>
    %dma_start3A_33 = tpu.memref_slice %arg3[%add3A_31] : memref<327680xi32, #tpu.memory_space<hbm>> -> memref<128xi32, #tpu.memory_space<hbm>>
    tpu.enqueue_dma source(%dma_start3A_33 : memref<128xi32, #tpu.memory_space<hbm>>) target(%arg10 : memref<128xi32, #tpu.memory_space<vmem>>) target_semaphore(%arg21 : memref<!tpu.dma_semaphore, #tpu.memory_space<semaphore_mem>>)
    "tpu.region"() ({
      %run_scoped3A = tpu.sem_alloc : memref<!tpu.dma_semaphore, #tpu.memory_space<semaphore_mem>>
      %dma_start3A_79 = arith.constant 0 : i32
      %dma_start3A_80 = arith.constant 0 : i32
      %dma_start3A_81 = tpu.memref_slice %arg4[%add3A, %dma_start3A_79, %dma_start3A_80] : memref<32x80x128xi32, #tpu.memory_space<hbm>> -> memref<1x80x128xi32, #tpu.memory_space<hbm>>
      %dma_start3A_82 = tpu.memref_squeeze %dma_start3A_81 : memref<1x80x128xi32, #tpu.memory_space<hbm>> -> memref<80x128xi32, #tpu.memory_space<hbm>>
      %dma_start3A_83 = arith.constant 0 : i32
      %dma_start3A_84 = arith.constant 0 : i32
      %dma_start3A_85 = tpu.memref_slice %arg4[%add3A, %dma_start3A_83, %dma_start3A_84] : memref<32x80x128xi32, #tpu.memory_space<hbm>> -> memref<1x80x128xi32, #tpu.memory_space<hbm>>
      %dma_start3A_86 = tpu.memref_squeeze %dma_start3A_85 : memref<1x80x128xi32, #tpu.memory_space<hbm>> -> memref<80x128xi32, #tpu.memory_space<hbm>>
      tpu.enqueue_dma source(%dma_start3A_86 : memref<80x128xi32, #tpu.memory_space<hbm>>) target(%arg7 : memref<80x128xi32, #tpu.memory_space<vmem>>) target_semaphore(%run_scoped3A : memref<!tpu.dma_semaphore, #tpu.memory_space<semaphore_mem>>)
      %dma_wait3A_87 = arith.constant 0 : i32
      %dma_wait3A_88 = arith.constant 0 : i32
      %dma_wait3A_89 = tpu.memref_slice %arg4[%add3A, %dma_wait3A_87, %dma_wait3A_88] : memref<32x80x128xi32, #tpu.memory_space<hbm>> -> memref<1x80x128xi32, #tpu.memory_space<hbm>>
      %dma_wait3A_90 = tpu.memref_squeeze %dma_wait3A_89 : memref<1x80x128xi32, #tpu.memory_space<hbm>> -> memref<80x128xi32, #tpu.memory_space<hbm>>
      %dma_wait3A_91 = arith.constant 0 : i32
      %dma_wait3A_92 = arith.constant 0 : i32
      %dma_wait3A_93 = tpu.memref_slice %arg4[%add3A, %dma_wait3A_91, %dma_wait3A_92] : memref<32x80x128xi32, #tpu.memory_space<hbm>> -> memref<1x80x128xi32, #tpu.memory_space<hbm>>
      %dma_wait3A_94 = tpu.memref_squeeze %dma_wait3A_93 : memref<1x80x128xi32, #tpu.memory_space<hbm>> -> memref<80x128xi32, #tpu.memory_space<hbm>>
      tpu.wait_dma2 semaphore(%run_scoped3A : memref<!tpu.dma_semaphore, #tpu.memory_space<semaphore_mem>>) src(%dma_wait3A_94 : memref<80x128xi32, #tpu.memory_space<hbm>>) dst(%arg7 : memref<80x128xi32, #tpu.memory_space<vmem>>)
      tpu.yield
    }) : () -> ()
    %dma_wait3A = arith.constant 0 : i32
    %dma_wait3A_34 = tpu.memref_slice %arg3[%dma_wait3A] : memref<327680xi32, #tpu.memory_space<hbm>> -> memref<128xi32, #tpu.memory_space<hbm>>
    %dma_wait3A_35 = arith.constant 0 : i32
    %dma_wait3A_36 = tpu.memref_slice %arg3[%dma_wait3A_35] : memref<327680xi32, #tpu.memory_space<hbm>> -> memref<128xi32, #tpu.memory_space<hbm>>
    tpu.wait_dma2 semaphore(%arg19 : memref<!tpu.dma_semaphore, #tpu.memory_space<semaphore_mem>>) src(%dma_wait3A_36 : memref<128xi32, #tpu.memory_space<hbm>>) dst(%arg8 : memref<128xi32, #tpu.memory_space<vmem>>)
    %dma_start3A_37 = arith.constant 0 : i32
    %dma_start3A_38 = arith.constant 0 : i32
    %dma_start3A_39 = tpu.memref_slice %arg2[%dma_start3A_37, %dma_start3A_38] : memref<10000x128xf32, #tpu.memory_space<hbm>> -> memref<10000x128xf32, #tpu.memory_space<hbm>>
    tpu.enqueue_indirect_dma source(%dma_start3A_39 : memref<10000x128xf32, #tpu.memory_space<hbm>>) target(%arg12 : memref<128x128xf32, #tpu.memory_space<vmem>>) offsets(%arg8 : memref<128xi32, #tpu.memory_space<vmem>>) semaphore(%arg15 : memref<!tpu.dma_semaphore, #tpu.memory_space<semaphore_mem>>)
    %add3A_40 = arith.constant 384 : i32
    %add3A_41 = arith.addi %mul3A_2, %add3A_40 : i32
    %dma_start3A_42 = tpu.memref_slice %arg3[%add3A_41] : memref<327680xi32, #tpu.memory_space<hbm>> -> memref<128xi32, #tpu.memory_space<hbm>>
    %dma_start3A_43 = tpu.memref_slice %arg3[%add3A_41] : memref<327680xi32, #tpu.memory_space<hbm>> -> memref<128xi32, #tpu.memory_space<hbm>>
    tpu.enqueue_dma source(%dma_start3A_43 : memref<128xi32, #tpu.memory_space<hbm>>) target(%arg11 : memref<128xi32, #tpu.memory_space<vmem>>) target_semaphore(%arg22 : memref<!tpu.dma_semaphore, #tpu.memory_space<semaphore_mem>>)
    %dma_wait3A_44 = arith.constant 0 : i32
    %dma_wait3A_45 = tpu.memref_slice %arg14[%mul3A_6, %dma_wait3A_44] : memref<10240x128xf32, #tpu.memory_space<vmem_shared>> -> memref<320x128xf32, #tpu.memory_space<vmem_shared>>
    %dma_wait3A_46 = arith.constant 0 : i32
    %dma_wait3A_47 = tpu.memref_slice %arg5[%mul3A_4, %dma_wait3A_46] : memref<10240x128xf32, #tpu.memory_space<hbm>> -> memref<320x128xf32, #tpu.memory_space<hbm>>
    tpu.wait_dma2 semaphore(%arg17 : memref<!tpu.dma_semaphore, #tpu.memory_space<semaphore_mem>>) src(%dma_wait3A_47 : memref<320x128xf32, #tpu.memory_space<hbm>>) dst(%dma_wait3A_45 : memref<320x128xf32, #tpu.memory_space<vmem_shared>>)
    %dma_wait3A_48 = arith.constant 0 : i32
    %dma_wait3A_49 = tpu.memref_slice %arg14[%add3A_17, %dma_wait3A_48] : memref<10240x128xf32, #tpu.memory_space<vmem_shared>> -> memref<320x128xf32, #tpu.memory_space<vmem_shared>>
    %dma_wait3A_50 = arith.constant 0 : i32
    %dma_wait3A_51 = tpu.memref_slice %arg5[%add3A_13, %dma_wait3A_50] : memref<10240x128xf32, #tpu.memory_space<hbm>> -> memref<320x128xf32, #tpu.memory_space<hbm>>
    tpu.wait_dma2 semaphore(%arg18 : memref<!tpu.dma_semaphore, #tpu.memory_space<semaphore_mem>>) src(%dma_wait3A_51 : memref<320x128xf32, #tpu.memory_space<hbm>>) dst(%dma_wait3A_49 : memref<320x128xf32, #tpu.memory_space<vmem_shared>>)
    %barrier3A = arith.constant 0 : index
    tpu.barrier barrier_id(%barrier3A)
    %scan3A = arith.constant 0 : i32
    %scan3A_52 = arith.constant 0 : i32
    %scan3A_53 = arith.constant 20 : i32
    %scan3A_54 = arith.addi %scan3A_52, %scan3A_53 : i32
    %scan3A_55 = arith.constant 1 : i32
    scf.for %scan3A_79 = %scan3A_52 to %scan3A_54 step %scan3A_55  : i32 {
      %mul3A_80 = arith.constant 4 : i32
      %mul3A_81 = arith.muli %mul3A_80, %scan3A_79 : i32
      %add3A_82 = arith.constant 0 : i32
      %add3A_83 = arith.addi %mul3A_81, %add3A_82 : i32
      %add3A_84 = arith.constant 1 : i32
      %add3A_85 = arith.addi %add3A_83, %add3A_84 : i32
      %gt3A = arith.constant 0 : i32
      %gt3A_86 = arith.cmpi sgt, %scan3A_79, %gt3A : i32
      %convert_element_type3A = arith.extui %gt3A_86 : i1 to i32
      %cond3A = arith.constant 0 : i32
      %cond3A_87 = arith.cmpi ne, %convert_element_type3A, %cond3A : i32
      scf.if %cond3A_87 {
        %dma_wait3A_213 = arith.constant 0 : i32
        %dma_wait3A_214 = arith.constant 0 : i32
        %dma_wait3A_215 = tpu.memref_slice %arg7[%dma_wait3A_213, %dma_wait3A_214] : memref<80x128xi32, #tpu.memory_space<vmem>> -> memref<1x128xi32, #tpu.memory_space<vmem>>
        %dma_wait3A_216 = tpu.memref_squeeze %dma_wait3A_215 : memref<1x128xi32, #tpu.memory_space<vmem>> -> memref<128xi32, #tpu.memory_space<vmem>>
        %dma_wait3A_217 = arith.constant 0 : i32
        %dma_wait3A_218 = arith.constant 0 : i32
        %dma_wait3A_219 = tpu.memref_slice %arg14[%dma_wait3A_217, %dma_wait3A_218] : memref<10240x128xf32, #tpu.memory_space<vmem_shared>> -> memref<10240x128xf32, #tpu.memory_space<vmem_shared>>
        tpu.wait_indirect_dma semaphore(%arg18 : memref<!tpu.dma_semaphore, #tpu.memory_space<semaphore_mem>>) src(%arg13 : memref<128x128xf32, #tpu.memory_space<vmem>>) dst(%dma_wait3A_219 : memref<10240x128xf32, #tpu.memory_space<vmem_shared>>)
        %dma_wait3A_220 = arith.constant 0 : i32
        %dma_wait3A_221 = tpu.memref_slice %arg3[%dma_wait3A_220] : memref<327680xi32, #tpu.memory_space<hbm>> -> memref<128xi32, #tpu.memory_space<hbm>>
        %dma_wait3A_222 = arith.constant 0 : i32
        %dma_wait3A_223 = tpu.memref_slice %arg3[%dma_wait3A_222] : memref<327680xi32, #tpu.memory_space<hbm>> -> memref<128xi32, #tpu.memory_space<hbm>>
        tpu.wait_dma2 semaphore(%arg20 : memref<!tpu.dma_semaphore, #tpu.memory_space<semaphore_mem>>) src(%dma_wait3A_223 : memref<128xi32, #tpu.memory_space<hbm>>) dst(%arg9 : memref<128xi32, #tpu.memory_space<vmem>>)
        %dma_start3A_224 = arith.constant 0 : i32
        %dma_start3A_225 = arith.constant 0 : i32
        %dma_start3A_226 = tpu.memref_slice %arg2[%dma_start3A_224, %dma_start3A_225] : memref<10000x128xf32, #tpu.memory_space<hbm>> -> memref<10000x128xf32, #tpu.memory_space<hbm>>
        tpu.enqueue_indirect_dma source(%dma_start3A_226 : memref<10000x128xf32, #tpu.memory_space<hbm>>) target(%arg13 : memref<128x128xf32, #tpu.memory_space<vmem>>) offsets(%arg9 : memref<128xi32, #tpu.memory_space<vmem>>) semaphore(%arg16 : memref<!tpu.dma_semaphore, #tpu.memory_space<semaphore_mem>>)
      } else {
      }
      %eq3A = arith.constant 0 : i32
      %eq3A_88 = arith.cmpi eq, %scan3A_79, %eq3A : i32
      %convert_element_type3A_89 = arith.extui %eq3A_88 : i1 to i32
      %cond3A_90 = arith.constant 0 : i32
      %cond3A_91 = arith.cmpi ne, %convert_element_type3A_89, %cond3A_90 : i32
      scf.if %cond3A_91 {
        %dma_wait3A_213 = arith.constant 0 : i32
        %dma_wait3A_214 = tpu.memref_slice %arg3[%dma_wait3A_213] : memref<327680xi32, #tpu.memory_space<hbm>> -> memref<128xi32, #tpu.memory_space<hbm>>
        %dma_wait3A_215 = arith.constant 0 : i32
        %dma_wait3A_216 = tpu.memref_slice %arg3[%dma_wait3A_215] : memref<327680xi32, #tpu.memory_space<hbm>> -> memref<128xi32, #tpu.memory_space<hbm>>
        tpu.wait_dma2 semaphore(%arg20 : memref<!tpu.dma_semaphore, #tpu.memory_space<semaphore_mem>>) src(%dma_wait3A_216 : memref<128xi32, #tpu.memory_space<hbm>>) dst(%arg9 : memref<128xi32, #tpu.memory_space<vmem>>)
        %dma_start3A_217 = arith.constant 0 : i32
        %dma_start3A_218 = arith.constant 0 : i32
        %dma_start3A_219 = tpu.memref_slice %arg2[%dma_start3A_217, %dma_start3A_218] : memref<10000x128xf32, #tpu.memory_space<hbm>> -> memref<10000x128xf32, #tpu.memory_space<hbm>>
        tpu.enqueue_indirect_dma source(%dma_start3A_219 : memref<10000x128xf32, #tpu.memory_space<hbm>>) target(%arg13 : memref<128x128xf32, #tpu.memory_space<vmem>>) offsets(%arg9 : memref<128xi32, #tpu.memory_space<vmem>>) semaphore(%arg16 : memref<!tpu.dma_semaphore, #tpu.memory_space<semaphore_mem>>)
      } else {
      }
      %dma_wait3A_92 = arith.constant 0 : i32
      %dma_wait3A_93 = arith.constant 0 : i32
      %dma_wait3A_94 = tpu.memref_slice %arg2[%dma_wait3A_92, %dma_wait3A_93] : memref<10000x128xf32, #tpu.memory_space<hbm>> -> memref<10000x128xf32, #tpu.memory_space<hbm>>
      tpu.wait_indirect_dma semaphore(%arg15 : memref<!tpu.dma_semaphore, #tpu.memory_space<semaphore_mem>>) src(%dma_wait3A_94 : memref<10000x128xf32, #tpu.memory_space<hbm>>) dst(%arg12 : memref<128x128xf32, #tpu.memory_space<vmem>>)
      %sub3A = arith.constant 1 : i32
      %sub3A_95 = arith.subi %add3A_85, %sub3A : i32
      %dma_start3A_96 = arith.constant 0 : i32
      %dma_start3A_97 = tpu.memref_slice %arg7[%sub3A_95, %dma_start3A_96] : memref<80x128xi32, #tpu.memory_space<vmem>> -> memref<1x128xi32, #tpu.memory_space<vmem>>
      %dma_start3A_98 = tpu.memref_squeeze %dma_start3A_97 : memref<1x128xi32, #tpu.memory_space<vmem>> -> memref<128xi32, #tpu.memory_space<vmem>>
      %dma_start3A_99 = arith.constant 0 : i32
      %dma_start3A_100 = arith.constant 0 : i32
      %dma_start3A_101 = tpu.memref_slice %arg14[%dma_start3A_99, %dma_start3A_100] : memref<10240x128xf32, #tpu.memory_space<vmem_shared>> -> memref<10240x128xf32, #tpu.memory_space<vmem_shared>>
      tpu.enqueue_indirect_dma source(%arg12 : memref<128x128xf32, #tpu.memory_space<vmem>>) target(%dma_start3A_101 : memref<10240x128xf32, #tpu.memory_space<vmem_shared>>) offsets(%dma_start3A_98 : memref<128xi32, #tpu.memory_space<vmem>>) semaphore(%arg17 : memref<!tpu.dma_semaphore, #tpu.memory_space<semaphore_mem>>) {add = true}
      %add3A_102 = arith.constant 3 : i32
      %add3A_103 = arith.addi %add3A_85, %add3A_102 : i32
      %lt3A = arith.constant 80 : i32
      %lt3A_104 = arith.cmpi slt, %add3A_103, %lt3A : i32
      %convert_element_type3A_105 = arith.extui %lt3A_104 : i1 to i32
      %cond3A_106 = arith.constant 0 : i32
      %cond3A_107 = arith.cmpi ne, %convert_element_type3A_105, %cond3A_106 : i32
      scf.if %cond3A_107 {
        %add3A_213 = arith.constant 3 : i32
        %add3A_214 = arith.addi %add3A_85, %add3A_213 : i32
        %mul3A_215 = arith.constant 128 : i32
        %mul3A_216 = arith.muli %add3A_214, %mul3A_215 : i32
        %add3A_217 = arith.addi %mul3A_2, %mul3A_216 : i32
        %dma_start3A_218 = tpu.memref_slice %arg3[%add3A_217] : memref<327680xi32, #tpu.memory_space<hbm>> -> memref<128xi32, #tpu.memory_space<hbm>>
        %dma_start3A_219 = tpu.memref_slice %arg3[%add3A_217] : memref<327680xi32, #tpu.memory_space<hbm>> -> memref<128xi32, #tpu.memory_space<hbm>>
        tpu.enqueue_dma source(%dma_start3A_219 : memref<128xi32, #tpu.memory_space<hbm>>) target(%arg8 : memref<128xi32, #tpu.memory_space<vmem>>) target_semaphore(%arg19 : memref<!tpu.dma_semaphore, #tpu.memory_space<semaphore_mem>>)
      } else {
      }
      %mul3A_108 = arith.constant 4 : i32
      %mul3A_109 = arith.muli %mul3A_108, %scan3A_79 : i32
      %add3A_110 = arith.constant 1 : i32
      %add3A_111 = arith.addi %mul3A_109, %add3A_110 : i32
      %add3A_112 = arith.constant 1 : i32
      %add3A_113 = arith.addi %add3A_111, %add3A_112 : i32
      %dma_wait3A_114 = arith.constant 0 : i32
      %dma_wait3A_115 = arith.constant 0 : i32
      %dma_wait3A_116 = tpu.memref_slice %arg7[%dma_wait3A_114, %dma_wait3A_115] : memref<80x128xi32, #tpu.memory_space<vmem>> -> memref<1x128xi32, #tpu.memory_space<vmem>>
      %dma_wait3A_117 = tpu.memref_squeeze %dma_wait3A_116 : memref<1x128xi32, #tpu.memory_space<vmem>> -> memref<128xi32, #tpu.memory_space<vmem>>
      %dma_wait3A_118 = arith.constant 0 : i32
      %dma_wait3A_119 = arith.constant 0 : i32
      %dma_wait3A_120 = tpu.memref_slice %arg14[%dma_wait3A_118, %dma_wait3A_119] : memref<10240x128xf32, #tpu.memory_space<vmem_shared>> -> memref<10240x128xf32, #tpu.memory_space<vmem_shared>>
      tpu.wait_indirect_dma semaphore(%arg17 : memref<!tpu.dma_semaphore, #tpu.memory_space<semaphore_mem>>) src(%arg12 : memref<128x128xf32, #tpu.memory_space<vmem>>) dst(%dma_wait3A_120 : memref<10240x128xf32, #tpu.memory_space<vmem_shared>>)
      %dma_wait3A_121 = arith.constant 0 : i32
      %dma_wait3A_122 = tpu.memref_slice %arg3[%dma_wait3A_121] : memref<327680xi32, #tpu.memory_space<hbm>> -> memref<128xi32, #tpu.memory_space<hbm>>
      %dma_wait3A_123 = arith.constant 0 : i32
      %dma_wait3A_124 = tpu.memref_slice %arg3[%dma_wait3A_123] : memref<327680xi32, #tpu.memory_space<hbm>> -> memref<128xi32, #tpu.memory_space<hbm>>
      tpu.wait_dma2 semaphore(%arg21 : memref<!tpu.dma_semaphore, #tpu.memory_space<semaphore_mem>>) src(%dma_wait3A_124 : memref<128xi32, #tpu.memory_space<hbm>>) dst(%arg10 : memref<128xi32, #tpu.memory_space<vmem>>)
      %dma_start3A_125 = arith.constant 0 : i32
      %dma_start3A_126 = arith.constant 0 : i32
      %dma_start3A_127 = tpu.memref_slice %arg2[%dma_start3A_125, %dma_start3A_126] : memref<10000x128xf32, #tpu.memory_space<hbm>> -> memref<10000x128xf32, #tpu.memory_space<hbm>>
      tpu.enqueue_indirect_dma source(%dma_start3A_127 : memref<10000x128xf32, #tpu.memory_space<hbm>>) target(%arg12 : memref<128x128xf32, #tpu.memory_space<vmem>>) offsets(%arg10 : memref<128xi32, #tpu.memory_space<vmem>>) semaphore(%arg15 : memref<!tpu.dma_semaphore, #tpu.memory_space<semaphore_mem>>)
      %dma_wait3A_128 = arith.constant 0 : i32
      %dma_wait3A_129 = arith.constant 0 : i32
      %dma_wait3A_130 = tpu.memref_slice %arg2[%dma_wait3A_128, %dma_wait3A_129] : memref<10000x128xf32, #tpu.memory_space<hbm>> -> memref<10000x128xf32, #tpu.memory_space<hbm>>
      tpu.wait_indirect_dma semaphore(%arg16 : memref<!tpu.dma_semaphore, #tpu.memory_space<semaphore_mem>>) src(%dma_wait3A_130 : memref<10000x128xf32, #tpu.memory_space<hbm>>) dst(%arg13 : memref<128x128xf32, #tpu.memory_space<vmem>>)
      %sub3A_131 = arith.constant 1 : i32
      %sub3A_132 = arith.subi %add3A_113, %sub3A_131 : i32
      %dma_start3A_133 = arith.constant 0 : i32
      %dma_start3A_134 = tpu.memref_slice %arg7[%sub3A_132, %dma_start3A_133] : memref<80x128xi32, #tpu.memory_space<vmem>> -> memref<1x128xi32, #tpu.memory_space<vmem>>
      %dma_start3A_135 = tpu.memref_squeeze %dma_start3A_134 : memref<1x128xi32, #tpu.memory_space<vmem>> -> memref<128xi32, #tpu.memory_space<vmem>>
      %dma_start3A_136 = arith.constant 0 : i32
      %dma_start3A_137 = arith.constant 0 : i32
      %dma_start3A_138 = tpu.memref_slice %arg14[%dma_start3A_136, %dma_start3A_137] : memref<10240x128xf32, #tpu.memory_space<vmem_shared>> -> memref<10240x128xf32, #tpu.memory_space<vmem_shared>>
      tpu.enqueue_indirect_dma source(%arg13 : memref<128x128xf32, #tpu.memory_space<vmem>>) target(%dma_start3A_138 : memref<10240x128xf32, #tpu.memory_space<vmem_shared>>) offsets(%dma_start3A_135 : memref<128xi32, #tpu.memory_space<vmem>>) semaphore(%arg18 : memref<!tpu.dma_semaphore, #tpu.memory_space<semaphore_mem>>) {add = true}
      %add3A_139 = arith.constant 3 : i32
      %add3A_140 = arith.addi %add3A_113, %add3A_139 : i32
      %lt3A_141 = arith.constant 80 : i32
      %lt3A_142 = arith.cmpi slt, %add3A_140, %lt3A_141 : i32
      %convert_element_type3A_143 = arith.extui %lt3A_142 : i1 to i32
      %cond3A_144 = arith.constant 0 : i32
      %cond3A_145 = arith.cmpi ne, %convert_element_type3A_143, %cond3A_144 : i32
      scf.if %cond3A_145 {
        %add3A_213 = arith.constant 3 : i32
        %add3A_214 = arith.addi %add3A_113, %add3A_213 : i32
        %mul3A_215 = arith.constant 128 : i32
        %mul3A_216 = arith.muli %add3A_214, %mul3A_215 : i32
        %add3A_217 = arith.addi %mul3A_2, %mul3A_216 : i32
        %dma_start3A_218 = tpu.memref_slice %arg3[%add3A_217] : memref<327680xi32, #tpu.memory_space<hbm>> -> memref<128xi32, #tpu.memory_space<hbm>>
        %dma_start3A_219 = tpu.memref_slice %arg3[%add3A_217] : memref<327680xi32, #tpu.memory_space<hbm>> -> memref<128xi32, #tpu.memory_space<hbm>>
        tpu.enqueue_dma source(%dma_start3A_219 : memref<128xi32, #tpu.memory_space<hbm>>) target(%arg9 : memref<128xi32, #tpu.memory_space<vmem>>) target_semaphore(%arg20 : memref<!tpu.dma_semaphore, #tpu.memory_space<semaphore_mem>>)
      } else {
      }
      %mul3A_146 = arith.constant 4 : i32
      %mul3A_147 = arith.muli %mul3A_146, %scan3A_79 : i32
      %add3A_148 = arith.constant 2 : i32
      %add3A_149 = arith.addi %mul3A_147, %add3A_148 : i32
      %add3A_150 = arith.constant 1 : i32
      %add3A_151 = arith.addi %add3A_149, %add3A_150 : i32
      %dma_wait3A_152 = arith.constant 0 : i32
      %dma_wait3A_153 = arith.constant 0 : i32
      %dma_wait3A_154 = tpu.memref_slice %arg7[%dma_wait3A_152, %dma_wait3A_153] : memref<80x128xi32, #tpu.memory_space<vmem>> -> memref<1x128xi32, #tpu.memory_space<vmem>>
      %dma_wait3A_155 = tpu.memref_squeeze %dma_wait3A_154 : memref<1x128xi32, #tpu.memory_space<vmem>> -> memref<128xi32, #tpu.memory_space<vmem>>
      %dma_wait3A_156 = arith.constant 0 : i32
      %dma_wait3A_157 = arith.constant 0 : i32
      %dma_wait3A_158 = tpu.memref_slice %arg14[%dma_wait3A_156, %dma_wait3A_157] : memref<10240x128xf32, #tpu.memory_space<vmem_shared>> -> memref<10240x128xf32, #tpu.memory_space<vmem_shared>>
      tpu.wait_indirect_dma semaphore(%arg18 : memref<!tpu.dma_semaphore, #tpu.memory_space<semaphore_mem>>) src(%arg13 : memref<128x128xf32, #tpu.memory_space<vmem>>) dst(%dma_wait3A_158 : memref<10240x128xf32, #tpu.memory_space<vmem_shared>>)
      %dma_wait3A_159 = arith.constant 0 : i32
      %dma_wait3A_160 = tpu.memref_slice %arg3[%dma_wait3A_159] : memref<327680xi32, #tpu.memory_space<hbm>> -> memref<128xi32, #tpu.memory_space<hbm>>
      %dma_wait3A_161 = arith.constant 0 : i32
      %dma_wait3A_162 = tpu.memref_slice %arg3[%dma_wait3A_161] : memref<327680xi32, #tpu.memory_space<hbm>> -> memref<128xi32, #tpu.memory_space<hbm>>
      tpu.wait_dma2 semaphore(%arg22 : memref<!tpu.dma_semaphore, #tpu.memory_space<semaphore_mem>>) src(%dma_wait3A_162 : memref<128xi32, #tpu.memory_space<hbm>>) dst(%arg11 : memref<128xi32, #tpu.memory_space<vmem>>)
      %dma_start3A_163 = arith.constant 0 : i32
      %dma_start3A_164 = arith.constant 0 : i32
      %dma_start3A_165 = tpu.memref_slice %arg2[%dma_start3A_163, %dma_start3A_164] : memref<10000x128xf32, #tpu.memory_space<hbm>> -> memref<10000x128xf32, #tpu.memory_space<hbm>>
      tpu.enqueue_indirect_dma source(%dma_start3A_165 : memref<10000x128xf32, #tpu.memory_space<hbm>>) target(%arg13 : memref<128x128xf32, #tpu.memory_space<vmem>>) offsets(%arg11 : memref<128xi32, #tpu.memory_space<vmem>>) semaphore(%arg16 : memref<!tpu.dma_semaphore, #tpu.memory_space<semaphore_mem>>)
      %dma_wait3A_166 = arith.constant 0 : i32
      %dma_wait3A_167 = arith.constant 0 : i32
      %dma_wait3A_168 = tpu.memref_slice %arg2[%dma_wait3A_166, %dma_wait3A_167] : memref<10000x128xf32, #tpu.memory_space<hbm>> -> memref<10000x128xf32, #tpu.memory_space<hbm>>
      tpu.wait_indirect_dma semaphore(%arg15 : memref<!tpu.dma_semaphore, #tpu.memory_space<semaphore_mem>>) src(%dma_wait3A_168 : memref<10000x128xf32, #tpu.memory_space<hbm>>) dst(%arg12 : memref<128x128xf32, #tpu.memory_space<vmem>>)
      %sub3A_169 = arith.constant 1 : i32
      %sub3A_170 = arith.subi %add3A_151, %sub3A_169 : i32
      %dma_start3A_171 = arith.constant 0 : i32
      %dma_start3A_172 = tpu.memref_slice %arg7[%sub3A_170, %dma_start3A_171] : memref<80x128xi32, #tpu.memory_space<vmem>> -> memref<1x128xi32, #tpu.memory_space<vmem>>
      %dma_start3A_173 = tpu.memref_squeeze %dma_start3A_172 : memref<1x128xi32, #tpu.memory_space<vmem>> -> memref<128xi32, #tpu.memory_space<vmem>>
      %dma_start3A_174 = arith.constant 0 : i32
      %dma_start3A_175 = arith.constant 0 : i32
      %dma_start3A_176 = tpu.memref_slice %arg14[%dma_start3A_174, %dma_start3A_175] : memref<10240x128xf32, #tpu.memory_space<vmem_shared>> -> memref<10240x128xf32, #tpu.memory_space<vmem_shared>>
      tpu.enqueue_indirect_dma source(%arg12 : memref<128x128xf32, #tpu.memory_space<vmem>>) target(%dma_start3A_176 : memref<10240x128xf32, #tpu.memory_space<vmem_shared>>) offsets(%dma_start3A_173 : memref<128xi32, #tpu.memory_space<vmem>>) semaphore(%arg17 : memref<!tpu.dma_semaphore, #tpu.memory_space<semaphore_mem>>) {add = true}
      %add3A_177 = arith.constant 3 : i32
      %add3A_178 = arith.addi %add3A_151, %add3A_177 : i32
      %lt3A_179 = arith.constant 80 : i32
      %lt3A_180 = arith.cmpi slt, %add3A_178, %lt3A_179 : i32
      %convert_element_type3A_181 = arith.extui %lt3A_180 : i1 to i32
      %cond3A_182 = arith.constant 0 : i32
      %cond3A_183 = arith.cmpi ne, %convert_element_type3A_181, %cond3A_182 : i32
      scf.if %cond3A_183 {
        %add3A_213 = arith.constant 3 : i32
        %add3A_214 = arith.addi %add3A_151, %add3A_213 : i32
        %mul3A_215 = arith.constant 128 : i32
        %mul3A_216 = arith.muli %add3A_214, %mul3A_215 : i32
        %add3A_217 = arith.addi %mul3A_2, %mul3A_216 : i32
        %dma_start3A_218 = tpu.memref_slice %arg3[%add3A_217] : memref<327680xi32, #tpu.memory_space<hbm>> -> memref<128xi32, #tpu.memory_space<hbm>>
        %dma_start3A_219 = tpu.memref_slice %arg3[%add3A_217] : memref<327680xi32, #tpu.memory_space<hbm>> -> memref<128xi32, #tpu.memory_space<hbm>>
        tpu.enqueue_dma source(%dma_start3A_219 : memref<128xi32, #tpu.memory_space<hbm>>) target(%arg10 : memref<128xi32, #tpu.memory_space<vmem>>) target_semaphore(%arg21 : memref<!tpu.dma_semaphore, #tpu.memory_space<semaphore_mem>>)
      } else {
      }
      %mul3A_184 = arith.constant 4 : i32
      %mul3A_185 = arith.muli %mul3A_184, %scan3A_79 : i32
      %add3A_186 = arith.constant 3 : i32
      %add3A_187 = arith.addi %mul3A_185, %add3A_186 : i32
      %add3A_188 = arith.constant 1 : i32
      %add3A_189 = arith.addi %add3A_187, %add3A_188 : i32
      %lt3A_190 = arith.constant 19 : i32
      %lt3A_191 = arith.cmpi slt, %scan3A_79, %lt3A_190 : i32
      %convert_element_type3A_192 = arith.extui %lt3A_191 : i1 to i32
      %cond3A_193 = arith.constant 0 : i32
      %cond3A_194 = arith.cmpi ne, %convert_element_type3A_192, %cond3A_193 : i32
      scf.if %cond3A_194 {
        %dma_wait3A_213 = arith.constant 0 : i32
        %dma_wait3A_214 = arith.constant 0 : i32
        %dma_wait3A_215 = tpu.memref_slice %arg7[%dma_wait3A_213, %dma_wait3A_214] : memref<80x128xi32, #tpu.memory_space<vmem>> -> memref<1x128xi32, #tpu.memory_space<vmem>>
        %dma_wait3A_216 = tpu.memref_squeeze %dma_wait3A_215 : memref<1x128xi32, #tpu.memory_space<vmem>> -> memref<128xi32, #tpu.memory_space<vmem>>
        %dma_wait3A_217 = arith.constant 0 : i32
        %dma_wait3A_218 = arith.constant 0 : i32
        %dma_wait3A_219 = tpu.memref_slice %arg14[%dma_wait3A_217, %dma_wait3A_218] : memref<10240x128xf32, #tpu.memory_space<vmem_shared>> -> memref<10240x128xf32, #tpu.memory_space<vmem_shared>>
        tpu.wait_indirect_dma semaphore(%arg17 : memref<!tpu.dma_semaphore, #tpu.memory_space<semaphore_mem>>) src(%arg12 : memref<128x128xf32, #tpu.memory_space<vmem>>) dst(%dma_wait3A_219 : memref<10240x128xf32, #tpu.memory_space<vmem_shared>>)
        %dma_wait3A_220 = arith.constant 0 : i32
        %dma_wait3A_221 = tpu.memref_slice %arg3[%dma_wait3A_220] : memref<327680xi32, #tpu.memory_space<hbm>> -> memref<128xi32, #tpu.memory_space<hbm>>
        %dma_wait3A_222 = arith.constant 0 : i32
        %dma_wait3A_223 = tpu.memref_slice %arg3[%dma_wait3A_222] : memref<327680xi32, #tpu.memory_space<hbm>> -> memref<128xi32, #tpu.memory_space<hbm>>
        tpu.wait_dma2 semaphore(%arg19 : memref<!tpu.dma_semaphore, #tpu.memory_space<semaphore_mem>>) src(%dma_wait3A_223 : memref<128xi32, #tpu.memory_space<hbm>>) dst(%arg8 : memref<128xi32, #tpu.memory_space<vmem>>)
        %dma_start3A_224 = arith.constant 0 : i32
        %dma_start3A_225 = arith.constant 0 : i32
        %dma_start3A_226 = tpu.memref_slice %arg2[%dma_start3A_224, %dma_start3A_225] : memref<10000x128xf32, #tpu.memory_space<hbm>> -> memref<10000x128xf32, #tpu.memory_space<hbm>>
        tpu.enqueue_indirect_dma source(%dma_start3A_226 : memref<10000x128xf32, #tpu.memory_space<hbm>>) target(%arg12 : memref<128x128xf32, #tpu.memory_space<vmem>>) offsets(%arg8 : memref<128xi32, #tpu.memory_space<vmem>>) semaphore(%arg15 : memref<!tpu.dma_semaphore, #tpu.memory_space<semaphore_mem>>)
      } else {
      }
      %dma_wait3A_195 = arith.constant 0 : i32
      %dma_wait3A_196 = arith.constant 0 : i32
      %dma_wait3A_197 = tpu.memref_slice %arg2[%dma_wait3A_195, %dma_wait3A_196] : memref<10000x128xf32, #tpu.memory_space<hbm>> -> memref<10000x128xf32, #tpu.memory_space<hbm>>
      tpu.wait_indirect_dma semaphore(%arg16 : memref<!tpu.dma_semaphore, #tpu.memory_space<semaphore_mem>>) src(%dma_wait3A_197 : memref<10000x128xf32, #tpu.memory_space<hbm>>) dst(%arg13 : memref<128x128xf32, #tpu.memory_space<vmem>>)
      %sub3A_198 = arith.constant 1 : i32
      %sub3A_199 = arith.subi %add3A_189, %sub3A_198 : i32
      %dma_start3A_200 = arith.constant 0 : i32
      %dma_start3A_201 = tpu.memref_slice %arg7[%sub3A_199, %dma_start3A_200] : memref<80x128xi32, #tpu.memory_space<vmem>> -> memref<1x128xi32, #tpu.memory_space<vmem>>
      %dma_start3A_202 = tpu.memref_squeeze %dma_start3A_201 : memref<1x128xi32, #tpu.memory_space<vmem>> -> memref<128xi32, #tpu.memory_space<vmem>>
      %dma_start3A_203 = arith.constant 0 : i32
      %dma_start3A_204 = arith.constant 0 : i32
      %dma_start3A_205 = tpu.memref_slice %arg14[%dma_start3A_203, %dma_start3A_204] : memref<10240x128xf32, #tpu.memory_space<vmem_shared>> -> memref<10240x128xf32, #tpu.memory_space<vmem_shared>>
      tpu.enqueue_indirect_dma source(%arg13 : memref<128x128xf32, #tpu.memory_space<vmem>>) target(%dma_start3A_205 : memref<10240x128xf32, #tpu.memory_space<vmem_shared>>) offsets(%dma_start3A_202 : memref<128xi32, #tpu.memory_space<vmem>>) semaphore(%arg18 : memref<!tpu.dma_semaphore, #tpu.memory_space<semaphore_mem>>) {add = true}
      %add3A_206 = arith.constant 3 : i32
      %add3A_207 = arith.addi %add3A_189, %add3A_206 : i32
      %lt3A_208 = arith.constant 80 : i32
      %lt3A_209 = arith.cmpi slt, %add3A_207, %lt3A_208 : i32
      %convert_element_type3A_210 = arith.extui %lt3A_209 : i1 to i32
      %cond3A_211 = arith.constant 0 : i32
      %cond3A_212 = arith.cmpi ne, %convert_element_type3A_210, %cond3A_211 : i32
      scf.if %cond3A_212 {
        %add3A_213 = arith.constant 3 : i32
        %add3A_214 = arith.addi %add3A_189, %add3A_213 : i32
        %mul3A_215 = arith.constant 128 : i32
        %mul3A_216 = arith.muli %add3A_214, %mul3A_215 : i32
        %add3A_217 = arith.addi %mul3A_2, %mul3A_216 : i32
        %dma_start3A_218 = tpu.memref_slice %arg3[%add3A_217] : memref<327680xi32, #tpu.memory_space<hbm>> -> memref<128xi32, #tpu.memory_space<hbm>>
        %dma_start3A_219 = tpu.memref_slice %arg3[%add3A_217] : memref<327680xi32, #tpu.memory_space<hbm>> -> memref<128xi32, #tpu.memory_space<hbm>>
        tpu.enqueue_dma source(%dma_start3A_219 : memref<128xi32, #tpu.memory_space<hbm>>) target(%arg11 : memref<128xi32, #tpu.memory_space<vmem>>) target_semaphore(%arg22 : memref<!tpu.dma_semaphore, #tpu.memory_space<semaphore_mem>>)
      } else {
      }
    }
    %scan3A_56 = arith.constant 20 : i32
    %dma_wait3A_57 = arith.constant 0 : i32
    %dma_wait3A_58 = arith.constant 0 : i32
    %dma_wait3A_59 = tpu.memref_slice %arg7[%dma_wait3A_57, %dma_wait3A_58] : memref<80x128xi32, #tpu.memory_space<vmem>> -> memref<1x128xi32, #tpu.memory_space<vmem>>
    %dma_wait3A_60 = tpu.memref_squeeze %dma_wait3A_59 : memref<1x128xi32, #tpu.memory_space<vmem>> -> memref<128xi32, #tpu.memory_space<vmem>>
    %dma_wait3A_61 = arith.constant 0 : i32
    %dma_wait3A_62 = arith.constant 0 : i32
    %dma_wait3A_63 = tpu.memref_slice %arg14[%dma_wait3A_61, %dma_wait3A_62] : memref<10240x128xf32, #tpu.memory_space<vmem_shared>> -> memref<10240x128xf32, #tpu.memory_space<vmem_shared>>
    tpu.wait_indirect_dma semaphore(%arg17 : memref<!tpu.dma_semaphore, #tpu.memory_space<semaphore_mem>>) src(%arg12 : memref<128x128xf32, #tpu.memory_space<vmem>>) dst(%dma_wait3A_63 : memref<10240x128xf32, #tpu.memory_space<vmem_shared>>)
    %dma_wait3A_64 = arith.constant 0 : i32
    %dma_wait3A_65 = arith.constant 0 : i32
    %dma_wait3A_66 = tpu.memref_slice %arg7[%dma_wait3A_64, %dma_wait3A_65] : memref<80x128xi32, #tpu.memory_space<vmem>> -> memref<1x128xi32, #tpu.memory_space<vmem>>
    %dma_wait3A_67 = tpu.memref_squeeze %dma_wait3A_66 : memref<1x128xi32, #tpu.memory_space<vmem>> -> memref<128xi32, #tpu.memory_space<vmem>>
    %dma_wait3A_68 = arith.constant 0 : i32
    %dma_wait3A_69 = arith.constant 0 : i32
    %dma_wait3A_70 = tpu.memref_slice %arg14[%dma_wait3A_68, %dma_wait3A_69] : memref<10240x128xf32, #tpu.memory_space<vmem_shared>> -> memref<10240x128xf32, #tpu.memory_space<vmem_shared>>
    tpu.wait_indirect_dma semaphore(%arg18 : memref<!tpu.dma_semaphore, #tpu.memory_space<semaphore_mem>>) src(%arg13 : memref<128x128xf32, #tpu.memory_space<vmem>>) dst(%dma_wait3A_70 : memref<10240x128xf32, #tpu.memory_space<vmem_shared>>)
    %barrier3A_71 = arith.constant 0 : index
    tpu.barrier barrier_id(%barrier3A_71)
    %mul3A_72 = arith.constant 640 : i32
    %mul3A_73 = arith.muli %arg1, %mul3A_72 : i32
    %mul3A_74 = arith.constant 10240 : i32
    %mul3A_75 = arith.muli %arg0, %mul3A_74 : i32
    %mul3A_76 = arith.constant 640 : i32
    %mul3A_77 = arith.muli %arg1, %mul3A_76 : i32
    %add3A_78 = arith.addi %mul3A_75, %mul3A_77 : i32
    "tpu.region"() ({
      %run_scoped3A = tpu.sem_alloc : memref<!tpu.dma_semaphore, #tpu.memory_space<semaphore_mem>>
      %dma_start3A_79 = arith.constant 0 : i32
      %dma_start3A_80 = tpu.memref_slice %arg6[%add3A_78, %dma_start3A_79] : memref<20480x128xf32, #tpu.memory_space<hbm>> -> memref<640x128xf32, #tpu.memory_space<hbm>>
      %dma_start3A_81 = arith.constant 0 : i32
      %dma_start3A_82 = tpu.memref_slice %arg14[%mul3A_73, %dma_start3A_81] : memref<10240x128xf32, #tpu.memory_space<vmem_shared>> -> memref<640x128xf32, #tpu.memory_space<vmem_shared>>
      tpu.enqueue_dma source(%dma_start3A_82 : memref<640x128xf32, #tpu.memory_space<vmem_shared>>) target(%dma_start3A_80 : memref<640x128xf32, #tpu.memory_space<hbm>>) target_semaphore(%run_scoped3A : memref<!tpu.dma_semaphore, #tpu.memory_space<semaphore_mem>>)
      %dma_wait3A_83 = arith.constant 0 : i32
      %dma_wait3A_84 = tpu.memref_slice %arg6[%add3A_78, %dma_wait3A_83] : memref<20480x128xf32, #tpu.memory_space<hbm>> -> memref<640x128xf32, #tpu.memory_space<hbm>>
      %dma_wait3A_85 = arith.constant 0 : i32
      %dma_wait3A_86 = tpu.memref_slice %arg14[%mul3A_73, %dma_wait3A_85] : memref<10240x128xf32, #tpu.memory_space<vmem_shared>> -> memref<640x128xf32, #tpu.memory_space<vmem_shared>>
      tpu.wait_dma2 semaphore(%run_scoped3A : memref<!tpu.dma_semaphore, #tpu.memory_space<semaphore_mem>>) src(%dma_wait3A_86 : memref<640x128xf32, #tpu.memory_space<vmem_shared>>) dst(%dma_wait3A_84 : memref<640x128xf32, #tpu.memory_space<hbm>>)
      tpu.yield
    }) : () -> ()
    return
  }
}

#map = affine_map<(d0, d1) -> (0, 0)>
#map1 = affine_map<(d0, d1) -> (0)>
#map2 = affine_map<(d0, d1) -> (0, 0, 0)>
module attributes {stable_mosaic.version = 14 : i64} {
  func.func @seg_sum(%arg0: i32, %arg1: i32, %arg2: memref<10000x128xf32, #tpu.memory_space<hbm>>, %arg3: memref<327680xi32, #tpu.memory_space<hbm>>, %arg4: memref<32x80x128xi32, #tpu.memory_space<hbm>>, %arg5: memref<10240x128xf32, #tpu.memory_space<hbm>>, %arg6: memref<20480x128xf32, #tpu.memory_space<hbm>>, %arg7: memref<80x128xi32, #tpu.memory_space<vmem>>, %arg8: memref<128xi32, #tpu.memory_space<vmem>>, %arg9: memref<128xi32, #tpu.memory_space<vmem>>, %arg10: memref<128xi32, #tpu.memory_space<vmem>>, %arg11: memref<128xi32, #tpu.memory_space<vmem>>, %arg12: memref<128x128xf32, #tpu.memory_space<vmem>>, %arg13: memref<128x128xf32, #tpu.memory_space<vmem>>, %arg14: memref<10240x128xf32, #tpu.memory_space<vmem_shared>>, %arg15: memref<!tpu.dma_semaphore, #tpu.memory_space<semaphore_mem>>, %arg16: memref<!tpu.dma_semaphore, #tpu.memory_space<semaphore_mem>>, %arg17: memref<!tpu.dma_semaphore, #tpu.memory_space<semaphore_mem>>, %arg18: memref<!tpu.dma_semaphore, #tpu.memory_space<semaphore_mem>>, %arg19: memref<!tpu.dma_semaphore, #tpu.memory_space<semaphore_mem>>, %arg20: memref<!tpu.dma_semaphore, #tpu.memory_space<semaphore_mem>>, %arg21: memref<!tpu.dma_semaphore, #tpu.memory_space<semaphore_mem>>, %arg22: memref<!tpu.dma_semaphore, #tpu.memory_space<semaphore_mem>>) attributes {dimension_semantics = [#tpu.dimension_semantics<core_parallel>, #tpu.dimension_semantics<subcore_parallel>], iteration_bounds = array<i64: 2, 16>, scalar_prefetch = 0 : i64, scratch_operands = 16 : i64, tpu.core_type = #tpu.core_type<sc_vector_subcore>, window_params = [{transform_indices = #map}, {transform_indices = #map1}, {transform_indices = #map2}, {transform_indices = #map}, {transform_indices = #map}]} {
    %mul3A = arith.constant 2 : i32
    %mul3A_0 = arith.muli %arg1, %mul3A : i32
    %add3A = arith.addi %mul3A_0, %arg0 : i32
    %mul3A_1 = arith.constant 10240 : i32
    %mul3A_2 = arith.muli %add3A, %mul3A_1 : i32
    %mul3A_3 = arith.constant 640 : i32
    %mul3A_4 = arith.muli %arg1, %mul3A_3 : i32
    %mul3A_5 = arith.constant 640 : i32
    %mul3A_6 = arith.muli %arg1, %mul3A_5 : i32
    %dma_start3A = arith.constant 0 : i32
    %dma_start3A_7 = tpu.memref_slice %arg14[%mul3A_6, %dma_start3A] : memref<10240x128xf32, #tpu.memory_space<vmem_shared>> -> memref<320x128xf32, #tpu.memory_space<vmem_shared>>
    %dma_start3A_8 = arith.constant 0 : i32
    %dma_start3A_9 = tpu.memref_slice %arg5[%mul3A_4, %dma_start3A_8] : memref<10240x128xf32, #tpu.memory_space<hbm>> -> memref<320x128xf32, #tpu.memory_space<hbm>>
    tpu.enqueue_dma source(%dma_start3A_9 : memref<320x128xf32, #tpu.memory_space<hbm>>) target(%dma_start3A_7 : memref<320x128xf32, #tpu.memory_space<vmem_shared>>) target_semaphore(%arg17 : memref<!tpu.dma_semaphore, #tpu.memory_space<semaphore_mem>>)
    %mul3A_10 = arith.constant 640 : i32
    %mul3A_11 = arith.muli %arg1, %mul3A_10 : i32
    %add3A_12 = arith.constant 320 : i32
    %add3A_13 = arith.addi %mul3A_11, %add3A_12 : i32
    %mul3A_14 = arith.constant 640 : i32
    %mul3A_15 = arith.muli %arg1, %mul3A_14 : i32
    %add3A_16 = arith.constant 320 : i32
    %add3A_17 = arith.addi %mul3A_15, %add3A_16 : i32
    %dma_start3A_18 = arith.constant 0 : i32
    %dma_start3A_19 = tpu.memref_slice %arg14[%add3A_17, %dma_start3A_18] : memref<10240x128xf32, #tpu.memory_space<vmem_shared>> -> memref<320x128xf32, #tpu.memory_space<vmem_shared>>
    %dma_start3A_20 = arith.constant 0 : i32
    %dma_start3A_21 = tpu.memref_slice %arg5[%add3A_13, %dma_start3A_20] : memref<10240x128xf32, #tpu.memory_space<hbm>> -> memref<320x128xf32, #tpu.memory_space<hbm>>
    tpu.enqueue_dma source(%dma_start3A_21 : memref<320x128xf32, #tpu.memory_space<hbm>>) target(%dma_start3A_19 : memref<320x128xf32, #tpu.memory_space<vmem_shared>>) target_semaphore(%arg18 : memref<!tpu.dma_semaphore, #tpu.memory_space<semaphore_mem>>)
    %add3A_22 = arith.constant 0 : i32
    %add3A_23 = arith.addi %mul3A_2, %add3A_22 : i32
    %dma_start3A_24 = tpu.memref_slice %arg3[%add3A_23] : memref<327680xi32, #tpu.memory_space<hbm>> -> memref<128xi32, #tpu.memory_space<hbm>>
    %dma_start3A_25 = tpu.memref_slice %arg3[%add3A_23] : memref<327680xi32, #tpu.memory_space<hbm>> -> memref<128xi32, #tpu.memory_space<hbm>>
    tpu.enqueue_dma source(%dma_start3A_25 : memref<128xi32, #tpu.memory_space<hbm>>) target(%arg8 : memref<128xi32, #tpu.memory_space<vmem>>) target_semaphore(%arg19 : memref<!tpu.dma_semaphore, #tpu.memory_space<semaphore_mem>>)
    %add3A_26 = arith.constant 128 : i32
    %add3A_27 = arith.addi %mul3A_2, %add3A_26 : i32
    %dma_start3A_28 = tpu.memref_slice %arg3[%add3A_27] : memref<327680xi32, #tpu.memory_space<hbm>> -> memref<128xi32, #tpu.memory_space<hbm>>
    %dma_start3A_29 = tpu.memref_slice %arg3[%add3A_27] : memref<327680xi32, #tpu.memory_space<hbm>> -> memref<128xi32, #tpu.memory_space<hbm>>
    tpu.enqueue_dma source(%dma_start3A_29 : memref<128xi32, #tpu.memory_space<hbm>>) target(%arg9 : memref<128xi32, #tpu.memory_space<vmem>>) target_semaphore(%arg20 : memref<!tpu.dma_semaphore, #tpu.memory_space<semaphore_mem>>)
    %add3A_30 = arith.constant 256 : i32
    %add3A_31 = arith.addi %mul3A_2, %add3A_30 : i32
    %dma_start3A_32 = tpu.memref_slice %arg3[%add3A_31] : memref<327680xi32, #tpu.memory_space<hbm>> -> memref<128xi32, #tpu.memory_space<hbm>>
    %dma_start3A_33 = tpu.memref_slice %arg3[%add3A_31] : memref<327680xi32, #tpu.memory_space<hbm>> -> memref<128xi32, #tpu.memory_space<hbm>>
    tpu.enqueue_dma source(%dma_start3A_33 : memref<128xi32, #tpu.memory_space<hbm>>) target(%arg10 : memref<128xi32, #tpu.memory_space<vmem>>) target_semaphore(%arg21 : memref<!tpu.dma_semaphore, #tpu.memory_space<semaphore_mem>>)
    "tpu.region"() ({
      %run_scoped3A = tpu.sem_alloc : memref<!tpu.dma_semaphore, #tpu.memory_space<semaphore_mem>>
      %dma_start3A_79 = arith.constant 0 : i32
      %dma_start3A_80 = arith.constant 0 : i32
      %dma_start3A_81 = tpu.memref_slice %arg4[%add3A, %dma_start3A_79, %dma_start3A_80] : memref<32x80x128xi32, #tpu.memory_space<hbm>> -> memref<1x80x128xi32, #tpu.memory_space<hbm>>
      %dma_start3A_82 = tpu.memref_squeeze %dma_start3A_81 : memref<1x80x128xi32, #tpu.memory_space<hbm>> -> memref<80x128xi32, #tpu.memory_space<hbm>>
      %dma_start3A_83 = arith.constant 0 : i32
      %dma_start3A_84 = arith.constant 0 : i32
      %dma_start3A_85 = tpu.memref_slice %arg4[%add3A, %dma_start3A_83, %dma_start3A_84] : memref<32x80x128xi32, #tpu.memory_space<hbm>> -> memref<1x80x128xi32, #tpu.memory_space<hbm>>
      %dma_start3A_86 = tpu.memref_squeeze %dma_start3A_85 : memref<1x80x128xi32, #tpu.memory_space<hbm>> -> memref<80x128xi32, #tpu.memory_space<hbm>>
      tpu.enqueue_dma source(%dma_start3A_86 : memref<80x128xi32, #tpu.memory_space<hbm>>) target(%arg7 : memref<80x128xi32, #tpu.memory_space<vmem>>) target_semaphore(%run_scoped3A : memref<!tpu.dma_semaphore, #tpu.memory_space<semaphore_mem>>)
      %dma_wait3A_87 = arith.constant 0 : i32
      %dma_wait3A_88 = arith.constant 0 : i32
      %dma_wait3A_89 = tpu.memref_slice %arg4[%add3A, %dma_wait3A_87, %dma_wait3A_88] : memref<32x80x128xi32, #tpu.memory_space<hbm>> -> memref<1x80x128xi32, #tpu.memory_space<hbm>>
      %dma_wait3A_90 = tpu.memref_squeeze %dma_wait3A_89 : memref<1x80x128xi32, #tpu.memory_space<hbm>> -> memref<80x128xi32, #tpu.memory_space<hbm>>
      %dma_wait3A_91 = arith.constant 0 : i32
      %dma_wait3A_92 = arith.constant 0 : i32
      %dma_wait3A_93 = tpu.memref_slice %arg4[%add3A, %dma_wait3A_91, %dma_wait3A_92] : memref<32x80x128xi32, #tpu.memory_space<hbm>> -> memref<1x80x128xi32, #tpu.memory_space<hbm>>
      %dma_wait3A_94 = tpu.memref_squeeze %dma_wait3A_93 : memref<1x80x128xi32, #tpu.memory_space<hbm>> -> memref<80x128xi32, #tpu.memory_space<hbm>>
      tpu.wait_dma2 semaphore(%run_scoped3A : memref<!tpu.dma_semaphore, #tpu.memory_space<semaphore_mem>>) src(%dma_wait3A_94 : memref<80x128xi32, #tpu.memory_space<hbm>>) dst(%arg7 : memref<80x128xi32, #tpu.memory_space<vmem>>)
      tpu.yield
    }) : () -> ()
    %dma_wait3A = arith.constant 0 : i32
    %dma_wait3A_34 = tpu.memref_slice %arg3[%dma_wait3A] : memref<327680xi32, #tpu.memory_space<hbm>> -> memref<128xi32, #tpu.memory_space<hbm>>
    %dma_wait3A_35 = arith.constant 0 : i32
    %dma_wait3A_36 = tpu.memref_slice %arg3[%dma_wait3A_35] : memref<327680xi32, #tpu.memory_space<hbm>> -> memref<128xi32, #tpu.memory_space<hbm>>
    tpu.wait_dma2 semaphore(%arg19 : memref<!tpu.dma_semaphore, #tpu.memory_space<semaphore_mem>>) src(%dma_wait3A_36 : memref<128xi32, #tpu.memory_space<hbm>>) dst(%arg8 : memref<128xi32, #tpu.memory_space<vmem>>)
    %dma_start3A_37 = arith.constant 0 : i32
    %dma_start3A_38 = arith.constant 0 : i32
    %dma_start3A_39 = tpu.memref_slice %arg2[%dma_start3A_37, %dma_start3A_38] : memref<10000x128xf32, #tpu.memory_space<hbm>> -> memref<10000x128xf32, #tpu.memory_space<hbm>>
    tpu.enqueue_indirect_dma source(%dma_start3A_39 : memref<10000x128xf32, #tpu.memory_space<hbm>>) target(%arg12 : memref<128x128xf32, #tpu.memory_space<vmem>>) offsets(%arg8 : memref<128xi32, #tpu.memory_space<vmem>>) semaphore(%arg15 : memref<!tpu.dma_semaphore, #tpu.memory_space<semaphore_mem>>)
    %add3A_40 = arith.constant 384 : i32
    %add3A_41 = arith.addi %mul3A_2, %add3A_40 : i32
    %dma_start3A_42 = tpu.memref_slice %arg3[%add3A_41] : memref<327680xi32, #tpu.memory_space<hbm>> -> memref<128xi32, #tpu.memory_space<hbm>>
    %dma_start3A_43 = tpu.memref_slice %arg3[%add3A_41] : memref<327680xi32, #tpu.memory_space<hbm>> -> memref<128xi32, #tpu.memory_space<hbm>>
    tpu.enqueue_dma source(%dma_start3A_43 : memref<128xi32, #tpu.memory_space<hbm>>) target(%arg11 : memref<128xi32, #tpu.memory_space<vmem>>) target_semaphore(%arg22 : memref<!tpu.dma_semaphore, #tpu.memory_space<semaphore_mem>>)
    %dma_wait3A_44 = arith.constant 0 : i32
    %dma_wait3A_45 = tpu.memref_slice %arg14[%mul3A_6, %dma_wait3A_44] : memref<10240x128xf32, #tpu.memory_space<vmem_shared>> -> memref<320x128xf32, #tpu.memory_space<vmem_shared>>
    %dma_wait3A_46 = arith.constant 0 : i32
    %dma_wait3A_47 = tpu.memref_slice %arg5[%mul3A_4, %dma_wait3A_46] : memref<10240x128xf32, #tpu.memory_space<hbm>> -> memref<320x128xf32, #tpu.memory_space<hbm>>
    tpu.wait_dma2 semaphore(%arg17 : memref<!tpu.dma_semaphore, #tpu.memory_space<semaphore_mem>>) src(%dma_wait3A_47 : memref<320x128xf32, #tpu.memory_space<hbm>>) dst(%dma_wait3A_45 : memref<320x128xf32, #tpu.memory_space<vmem_shared>>)
    %dma_wait3A_48 = arith.constant 0 : i32
    %dma_wait3A_49 = tpu.memref_slice %arg14[%add3A_17, %dma_wait3A_48] : memref<10240x128xf32, #tpu.memory_space<vmem_shared>> -> memref<320x128xf32, #tpu.memory_space<vmem_shared>>
    %dma_wait3A_50 = arith.constant 0 : i32
    %dma_wait3A_51 = tpu.memref_slice %arg5[%add3A_13, %dma_wait3A_50] : memref<10240x128xf32, #tpu.memory_space<hbm>> -> memref<320x128xf32, #tpu.memory_space<hbm>>
    tpu.wait_dma2 semaphore(%arg18 : memref<!tpu.dma_semaphore, #tpu.memory_space<semaphore_mem>>) src(%dma_wait3A_51 : memref<320x128xf32, #tpu.memory_space<hbm>>) dst(%dma_wait3A_49 : memref<320x128xf32, #tpu.memory_space<vmem_shared>>)
    %barrier3A = arith.constant 0 : index
    tpu.barrier barrier_id(%barrier3A)
    %scan3A = arith.constant 0 : i32
    %scan3A_52 = arith.constant 0 : i32
    %scan3A_53 = arith.constant 20 : i32
    %scan3A_54 = arith.addi %scan3A_52, %scan3A_53 : i32
    %scan3A_55 = arith.constant 1 : i32
    scf.for %scan3A_79 = %scan3A_52 to %scan3A_54 step %scan3A_55  : i32 {
      %mul3A_80 = arith.constant 4 : i32
      %mul3A_81 = arith.muli %mul3A_80, %scan3A_79 : i32
      %add3A_82 = arith.constant 0 : i32
      %add3A_83 = arith.addi %mul3A_81, %add3A_82 : i32
      %add3A_84 = arith.constant 1 : i32
      %add3A_85 = arith.addi %add3A_83, %add3A_84 : i32
      %gt3A = arith.constant 0 : i32
      %gt3A_86 = arith.cmpi sgt, %scan3A_79, %gt3A : i32
      %convert_element_type3A = arith.extui %gt3A_86 : i1 to i32
      %cond3A = arith.constant 0 : i32
      %cond3A_87 = arith.cmpi ne, %convert_element_type3A, %cond3A : i32
      scf.if %cond3A_87 {
        %dma_wait3A_213 = arith.constant 0 : i32
        %dma_wait3A_214 = arith.constant 0 : i32
        %dma_wait3A_215 = tpu.memref_slice %arg7[%dma_wait3A_213, %dma_wait3A_214] : memref<80x128xi32, #tpu.memory_space<vmem>> -> memref<1x128xi32, #tpu.memory_space<vmem>>
        %dma_wait3A_216 = tpu.memref_squeeze %dma_wait3A_215 : memref<1x128xi32, #tpu.memory_space<vmem>> -> memref<128xi32, #tpu.memory_space<vmem>>
        %dma_wait3A_217 = arith.constant 0 : i32
        %dma_wait3A_218 = arith.constant 0 : i32
        %dma_wait3A_219 = tpu.memref_slice %arg14[%dma_wait3A_217, %dma_wait3A_218] : memref<10240x128xf32, #tpu.memory_space<vmem_shared>> -> memref<10240x128xf32, #tpu.memory_space<vmem_shared>>
        tpu.wait_indirect_dma semaphore(%arg18 : memref<!tpu.dma_semaphore, #tpu.memory_space<semaphore_mem>>) src(%arg13 : memref<128x128xf32, #tpu.memory_space<vmem>>) dst(%dma_wait3A_219 : memref<10240x128xf32, #tpu.memory_space<vmem_shared>>)
        %dma_wait3A_220 = arith.constant 0 : i32
        %dma_wait3A_221 = tpu.memref_slice %arg3[%dma_wait3A_220] : memref<327680xi32, #tpu.memory_space<hbm>> -> memref<128xi32, #tpu.memory_space<hbm>>
        %dma_wait3A_222 = arith.constant 0 : i32
        %dma_wait3A_223 = tpu.memref_slice %arg3[%dma_wait3A_222] : memref<327680xi32, #tpu.memory_space<hbm>> -> memref<128xi32, #tpu.memory_space<hbm>>
        tpu.wait_dma2 semaphore(%arg20 : memref<!tpu.dma_semaphore, #tpu.memory_space<semaphore_mem>>) src(%dma_wait3A_223 : memref<128xi32, #tpu.memory_space<hbm>>) dst(%arg9 : memref<128xi32, #tpu.memory_space<vmem>>)
        %dma_start3A_224 = arith.constant 0 : i32
        %dma_start3A_225 = arith.constant 0 : i32
        %dma_start3A_226 = tpu.memref_slice %arg2[%dma_start3A_224, %dma_start3A_225] : memref<10000x128xf32, #tpu.memory_space<hbm>> -> memref<10000x128xf32, #tpu.memory_space<hbm>>
        tpu.enqueue_indirect_dma source(%dma_start3A_226 : memref<10000x128xf32, #tpu.memory_space<hbm>>) target(%arg13 : memref<128x128xf32, #tpu.memory_space<vmem>>) offsets(%arg9 : memref<128xi32, #tpu.memory_space<vmem>>) semaphore(%arg16 : memref<!tpu.dma_semaphore, #tpu.memory_space<semaphore_mem>>)
      } else {
      }
      %eq3A = arith.constant 0 : i32
      %eq3A_88 = arith.cmpi eq, %scan3A_79, %eq3A : i32
      %convert_element_type3A_89 = arith.extui %eq3A_88 : i1 to i32
      %cond3A_90 = arith.constant 0 : i32
      %cond3A_91 = arith.cmpi ne, %convert_element_type3A_89, %cond3A_90 : i32
      scf.if %cond3A_91 {
        %dma_wait3A_213 = arith.constant 0 : i32
        %dma_wait3A_214 = tpu.memref_slice %arg3[%dma_wait3A_213] : memref<327680xi32, #tpu.memory_space<hbm>> -> memref<128xi32, #tpu.memory_space<hbm>>
        %dma_wait3A_215 = arith.constant 0 : i32
        %dma_wait3A_216 = tpu.memref_slice %arg3[%dma_wait3A_215] : memref<327680xi32, #tpu.memory_space<hbm>> -> memref<128xi32, #tpu.memory_space<hbm>>
        tpu.wait_dma2 semaphore(%arg20 : memref<!tpu.dma_semaphore, #tpu.memory_space<semaphore_mem>>) src(%dma_wait3A_216 : memref<128xi32, #tpu.memory_space<hbm>>) dst(%arg9 : memref<128xi32, #tpu.memory_space<vmem>>)
        %dma_start3A_217 = arith.constant 0 : i32
        %dma_start3A_218 = arith.constant 0 : i32
        %dma_start3A_219 = tpu.memref_slice %arg2[%dma_start3A_217, %dma_start3A_218] : memref<10000x128xf32, #tpu.memory_space<hbm>> -> memref<10000x128xf32, #tpu.memory_space<hbm>>
        tpu.enqueue_indirect_dma source(%dma_start3A_219 : memref<10000x128xf32, #tpu.memory_space<hbm>>) target(%arg13 : memref<128x128xf32, #tpu.memory_space<vmem>>) offsets(%arg9 : memref<128xi32, #tpu.memory_space<vmem>>) semaphore(%arg16 : memref<!tpu.dma_semaphore, #tpu.memory_space<semaphore_mem>>)
      } else {
      }
      %dma_wait3A_92 = arith.constant 0 : i32
      %dma_wait3A_93 = arith.constant 0 : i32
      %dma_wait3A_94 = tpu.memref_slice %arg2[%dma_wait3A_92, %dma_wait3A_93] : memref<10000x128xf32, #tpu.memory_space<hbm>> -> memref<10000x128xf32, #tpu.memory_space<hbm>>
      tpu.wait_indirect_dma semaphore(%arg15 : memref<!tpu.dma_semaphore, #tpu.memory_space<semaphore_mem>>) src(%dma_wait3A_94 : memref<10000x128xf32, #tpu.memory_space<hbm>>) dst(%arg12 : memref<128x128xf32, #tpu.memory_space<vmem>>)
      %sub3A = arith.constant 1 : i32
      %sub3A_95 = arith.subi %add3A_85, %sub3A : i32
      %dma_start3A_96 = arith.constant 0 : i32
      %dma_start3A_97 = tpu.memref_slice %arg7[%sub3A_95, %dma_start3A_96] : memref<80x128xi32, #tpu.memory_space<vmem>> -> memref<1x128xi32, #tpu.memory_space<vmem>>
      %dma_start3A_98 = tpu.memref_squeeze %dma_start3A_97 : memref<1x128xi32, #tpu.memory_space<vmem>> -> memref<128xi32, #tpu.memory_space<vmem>>
      %dma_start3A_99 = arith.constant 0 : i32
      %dma_start3A_100 = arith.constant 0 : i32
      %dma_start3A_101 = tpu.memref_slice %arg14[%dma_start3A_99, %dma_start3A_100] : memref<10240x128xf32, #tpu.memory_space<vmem_shared>> -> memref<10240x128xf32, #tpu.memory_space<vmem_shared>>
      tpu.enqueue_indirect_dma source(%arg12 : memref<128x128xf32, #tpu.memory_space<vmem>>) target(%dma_start3A_101 : memref<10240x128xf32, #tpu.memory_space<vmem_shared>>) offsets(%dma_start3A_98 : memref<128xi32, #tpu.memory_space<vmem>>) semaphore(%arg17 : memref<!tpu.dma_semaphore, #tpu.memory_space<semaphore_mem>>) {add = true}
      %add3A_102 = arith.constant 3 : i32
      %add3A_103 = arith.addi %add3A_85, %add3A_102 : i32
      %lt3A = arith.constant 80 : i32
      %lt3A_104 = arith.cmpi slt, %add3A_103, %lt3A : i32
      %convert_element_type3A_105 = arith.extui %lt3A_104 : i1 to i32
      %cond3A_106 = arith.constant 0 : i32
      %cond3A_107 = arith.cmpi ne, %convert_element_type3A_105, %cond3A_106 : i32
      scf.if %cond3A_107 {
        %add3A_213 = arith.constant 3 : i32
        %add3A_214 = arith.addi %add3A_85, %add3A_213 : i32
        %mul3A_215 = arith.constant 128 : i32
        %mul3A_216 = arith.muli %add3A_214, %mul3A_215 : i32
        %add3A_217 = arith.addi %mul3A_2, %mul3A_216 : i32
        %dma_start3A_218 = tpu.memref_slice %arg3[%add3A_217] : memref<327680xi32, #tpu.memory_space<hbm>> -> memref<128xi32, #tpu.memory_space<hbm>>
        %dma_start3A_219 = tpu.memref_slice %arg3[%add3A_217] : memref<327680xi32, #tpu.memory_space<hbm>> -> memref<128xi32, #tpu.memory_space<hbm>>
        tpu.enqueue_dma source(%dma_start3A_219 : memref<128xi32, #tpu.memory_space<hbm>>) target(%arg8 : memref<128xi32, #tpu.memory_space<vmem>>) target_semaphore(%arg19 : memref<!tpu.dma_semaphore, #tpu.memory_space<semaphore_mem>>)
      } else {
      }
      %mul3A_108 = arith.constant 4 : i32
      %mul3A_109 = arith.muli %mul3A_108, %scan3A_79 : i32
      %add3A_110 = arith.constant 1 : i32
      %add3A_111 = arith.addi %mul3A_109, %add3A_110 : i32
      %add3A_112 = arith.constant 1 : i32
      %add3A_113 = arith.addi %add3A_111, %add3A_112 : i32
      %dma_wait3A_114 = arith.constant 0 : i32
      %dma_wait3A_115 = arith.constant 0 : i32
      %dma_wait3A_116 = tpu.memref_slice %arg7[%dma_wait3A_114, %dma_wait3A_115] : memref<80x128xi32, #tpu.memory_space<vmem>> -> memref<1x128xi32, #tpu.memory_space<vmem>>
      %dma_wait3A_117 = tpu.memref_squeeze %dma_wait3A_116 : memref<1x128xi32, #tpu.memory_space<vmem>> -> memref<128xi32, #tpu.memory_space<vmem>>
      %dma_wait3A_118 = arith.constant 0 : i32
      %dma_wait3A_119 = arith.constant 0 : i32
      %dma_wait3A_120 = tpu.memref_slice %arg14[%dma_wait3A_118, %dma_wait3A_119] : memref<10240x128xf32, #tpu.memory_space<vmem_shared>> -> memref<10240x128xf32, #tpu.memory_space<vmem_shared>>
      tpu.wait_indirect_dma semaphore(%arg17 : memref<!tpu.dma_semaphore, #tpu.memory_space<semaphore_mem>>) src(%arg12 : memref<128x128xf32, #tpu.memory_space<vmem>>) dst(%dma_wait3A_120 : memref<10240x128xf32, #tpu.memory_space<vmem_shared>>)
      %dma_wait3A_121 = arith.constant 0 : i32
      %dma_wait3A_122 = tpu.memref_slice %arg3[%dma_wait3A_121] : memref<327680xi32, #tpu.memory_space<hbm>> -> memref<128xi32, #tpu.memory_space<hbm>>
      %dma_wait3A_123 = arith.constant 0 : i32
      %dma_wait3A_124 = tpu.memref_slice %arg3[%dma_wait3A_123] : memref<327680xi32, #tpu.memory_space<hbm>> -> memref<128xi32, #tpu.memory_space<hbm>>
      tpu.wait_dma2 semaphore(%arg21 : memref<!tpu.dma_semaphore, #tpu.memory_space<semaphore_mem>>) src(%dma_wait3A_124 : memref<128xi32, #tpu.memory_space<hbm>>) dst(%arg10 : memref<128xi32, #tpu.memory_space<vmem>>)
      %dma_start3A_125 = arith.constant 0 : i32
      %dma_start3A_126 = arith.constant 0 : i32
      %dma_start3A_127 = tpu.memref_slice %arg2[%dma_start3A_125, %dma_start3A_126] : memref<10000x128xf32, #tpu.memory_space<hbm>> -> memref<10000x128xf32, #tpu.memory_space<hbm>>
      tpu.enqueue_indirect_dma source(%dma_start3A_127 : memref<10000x128xf32, #tpu.memory_space<hbm>>) target(%arg12 : memref<128x128xf32, #tpu.memory_space<vmem>>) offsets(%arg10 : memref<128xi32, #tpu.memory_space<vmem>>) semaphore(%arg15 : memref<!tpu.dma_semaphore, #tpu.memory_space<semaphore_mem>>)
      %dma_wait3A_128 = arith.constant 0 : i32
      %dma_wait3A_129 = arith.constant 0 : i32
      %dma_wait3A_130 = tpu.memref_slice %arg2[%dma_wait3A_128, %dma_wait3A_129] : memref<10000x128xf32, #tpu.memory_space<hbm>> -> memref<10000x128xf32, #tpu.memory_space<hbm>>
      tpu.wait_indirect_dma semaphore(%arg16 : memref<!tpu.dma_semaphore, #tpu.memory_space<semaphore_mem>>) src(%dma_wait3A_130 : memref<10000x128xf32, #tpu.memory_space<hbm>>) dst(%arg13 : memref<128x128xf32, #tpu.memory_space<vmem>>)
      %sub3A_131 = arith.constant 1 : i32
      %sub3A_132 = arith.subi %add3A_113, %sub3A_131 : i32
      %dma_start3A_133 = arith.constant 0 : i32
      %dma_start3A_134 = tpu.memref_slice %arg7[%sub3A_132, %dma_start3A_133] : memref<80x128xi32, #tpu.memory_space<vmem>> -> memref<1x128xi32, #tpu.memory_space<vmem>>
      %dma_start3A_135 = tpu.memref_squeeze %dma_start3A_134 : memref<1x128xi32, #tpu.memory_space<vmem>> -> memref<128xi32, #tpu.memory_space<vmem>>
      %dma_start3A_136 = arith.constant 0 : i32
      %dma_start3A_137 = arith.constant 0 : i32
      %dma_start3A_138 = tpu.memref_slice %arg14[%dma_start3A_136, %dma_start3A_137] : memref<10240x128xf32, #tpu.memory_space<vmem_shared>> -> memref<10240x128xf32, #tpu.memory_space<vmem_shared>>
      tpu.enqueue_indirect_dma source(%arg13 : memref<128x128xf32, #tpu.memory_space<vmem>>) target(%dma_start3A_138 : memref<10240x128xf32, #tpu.memory_space<vmem_shared>>) offsets(%dma_start3A_135 : memref<128xi32, #tpu.memory_space<vmem>>) semaphore(%arg18 : memref<!tpu.dma_semaphore, #tpu.memory_space<semaphore_mem>>) {add = true}
      %add3A_139 = arith.constant 3 : i32
      %add3A_140 = arith.addi %add3A_113, %add3A_139 : i32
      %lt3A_141 = arith.constant 80 : i32
      %lt3A_142 = arith.cmpi slt, %add3A_140, %lt3A_141 : i32
      %convert_element_type3A_143 = arith.extui %lt3A_142 : i1 to i32
      %cond3A_144 = arith.constant 0 : i32
      %cond3A_145 = arith.cmpi ne, %convert_element_type3A_143, %cond3A_144 : i32
      scf.if %cond3A_145 {
        %add3A_213 = arith.constant 3 : i32
        %add3A_214 = arith.addi %add3A_113, %add3A_213 : i32
        %mul3A_215 = arith.constant 128 : i32
        %mul3A_216 = arith.muli %add3A_214, %mul3A_215 : i32
        %add3A_217 = arith.addi %mul3A_2, %mul3A_216 : i32
        %dma_start3A_218 = tpu.memref_slice %arg3[%add3A_217] : memref<327680xi32, #tpu.memory_space<hbm>> -> memref<128xi32, #tpu.memory_space<hbm>>
        %dma_start3A_219 = tpu.memref_slice %arg3[%add3A_217] : memref<327680xi32, #tpu.memory_space<hbm>> -> memref<128xi32, #tpu.memory_space<hbm>>
        tpu.enqueue_dma source(%dma_start3A_219 : memref<128xi32, #tpu.memory_space<hbm>>) target(%arg9 : memref<128xi32, #tpu.memory_space<vmem>>) target_semaphore(%arg20 : memref<!tpu.dma_semaphore, #tpu.memory_space<semaphore_mem>>)
      } else {
      }
      %mul3A_146 = arith.constant 4 : i32
      %mul3A_147 = arith.muli %mul3A_146, %scan3A_79 : i32
      %add3A_148 = arith.constant 2 : i32
      %add3A_149 = arith.addi %mul3A_147, %add3A_148 : i32
      %add3A_150 = arith.constant 1 : i32
      %add3A_151 = arith.addi %add3A_149, %add3A_150 : i32
      %dma_wait3A_152 = arith.constant 0 : i32
      %dma_wait3A_153 = arith.constant 0 : i32
      %dma_wait3A_154 = tpu.memref_slice %arg7[%dma_wait3A_152, %dma_wait3A_153] : memref<80x128xi32, #tpu.memory_space<vmem>> -> memref<1x128xi32, #tpu.memory_space<vmem>>
      %dma_wait3A_155 = tpu.memref_squeeze %dma_wait3A_154 : memref<1x128xi32, #tpu.memory_space<vmem>> -> memref<128xi32, #tpu.memory_space<vmem>>
      %dma_wait3A_156 = arith.constant 0 : i32
      %dma_wait3A_157 = arith.constant 0 : i32
      %dma_wait3A_158 = tpu.memref_slice %arg14[%dma_wait3A_156, %dma_wait3A_157] : memref<10240x128xf32, #tpu.memory_space<vmem_shared>> -> memref<10240x128xf32, #tpu.memory_space<vmem_shared>>
      tpu.wait_indirect_dma semaphore(%arg18 : memref<!tpu.dma_semaphore, #tpu.memory_space<semaphore_mem>>) src(%arg13 : memref<128x128xf32, #tpu.memory_space<vmem>>) dst(%dma_wait3A_158 : memref<10240x128xf32, #tpu.memory_space<vmem_shared>>)
      %dma_wait3A_159 = arith.constant 0 : i32
      %dma_wait3A_160 = tpu.memref_slice %arg3[%dma_wait3A_159] : memref<327680xi32, #tpu.memory_space<hbm>> -> memref<128xi32, #tpu.memory_space<hbm>>
      %dma_wait3A_161 = arith.constant 0 : i32
      %dma_wait3A_162 = tpu.memref_slice %arg3[%dma_wait3A_161] : memref<327680xi32, #tpu.memory_space<hbm>> -> memref<128xi32, #tpu.memory_space<hbm>>
      tpu.wait_dma2 semaphore(%arg22 : memref<!tpu.dma_semaphore, #tpu.memory_space<semaphore_mem>>) src(%dma_wait3A_162 : memref<128xi32, #tpu.memory_space<hbm>>) dst(%arg11 : memref<128xi32, #tpu.memory_space<vmem>>)
      %dma_start3A_163 = arith.constant 0 : i32
      %dma_start3A_164 = arith.constant 0 : i32
      %dma_start3A_165 = tpu.memref_slice %arg2[%dma_start3A_163, %dma_start3A_164] : memref<10000x128xf32, #tpu.memory_space<hbm>> -> memref<10000x128xf32, #tpu.memory_space<hbm>>
      tpu.enqueue_indirect_dma source(%dma_start3A_165 : memref<10000x128xf32, #tpu.memory_space<hbm>>) target(%arg13 : memref<128x128xf32, #tpu.memory_space<vmem>>) offsets(%arg11 : memref<128xi32, #tpu.memory_space<vmem>>) semaphore(%arg16 : memref<!tpu.dma_semaphore, #tpu.memory_space<semaphore_mem>>)
      %dma_wait3A_166 = arith.constant 0 : i32
      %dma_wait3A_167 = arith.constant 0 : i32
      %dma_wait3A_168 = tpu.memref_slice %arg2[%dma_wait3A_166, %dma_wait3A_167] : memref<10000x128xf32, #tpu.memory_space<hbm>> -> memref<10000x128xf32, #tpu.memory_space<hbm>>
      tpu.wait_indirect_dma semaphore(%arg15 : memref<!tpu.dma_semaphore, #tpu.memory_space<semaphore_mem>>) src(%dma_wait3A_168 : memref<10000x128xf32, #tpu.memory_space<hbm>>) dst(%arg12 : memref<128x128xf32, #tpu.memory_space<vmem>>)
      %sub3A_169 = arith.constant 1 : i32
      %sub3A_170 = arith.subi %add3A_151, %sub3A_169 : i32
      %dma_start3A_171 = arith.constant 0 : i32
      %dma_start3A_172 = tpu.memref_slice %arg7[%sub3A_170, %dma_start3A_171] : memref<80x128xi32, #tpu.memory_space<vmem>> -> memref<1x128xi32, #tpu.memory_space<vmem>>
      %dma_start3A_173 = tpu.memref_squeeze %dma_start3A_172 : memref<1x128xi32, #tpu.memory_space<vmem>> -> memref<128xi32, #tpu.memory_space<vmem>>
      %dma_start3A_174 = arith.constant 0 : i32
      %dma_start3A_175 = arith.constant 0 : i32
      %dma_start3A_176 = tpu.memref_slice %arg14[%dma_start3A_174, %dma_start3A_175] : memref<10240x128xf32, #tpu.memory_space<vmem_shared>> -> memref<10240x128xf32, #tpu.memory_space<vmem_shared>>
      tpu.enqueue_indirect_dma source(%arg12 : memref<128x128xf32, #tpu.memory_space<vmem>>) target(%dma_start3A_176 : memref<10240x128xf32, #tpu.memory_space<vmem_shared>>) offsets(%dma_start3A_173 : memref<128xi32, #tpu.memory_space<vmem>>) semaphore(%arg17 : memref<!tpu.dma_semaphore, #tpu.memory_space<semaphore_mem>>) {add = true}
      %add3A_177 = arith.constant 3 : i32
      %add3A_178 = arith.addi %add3A_151, %add3A_177 : i32
      %lt3A_179 = arith.constant 80 : i32
      %lt3A_180 = arith.cmpi slt, %add3A_178, %lt3A_179 : i32
      %convert_element_type3A_181 = arith.extui %lt3A_180 : i1 to i32
      %cond3A_182 = arith.constant 0 : i32
      %cond3A_183 = arith.cmpi ne, %convert_element_type3A_181, %cond3A_182 : i32
      scf.if %cond3A_183 {
        %add3A_213 = arith.constant 3 : i32
        %add3A_214 = arith.addi %add3A_151, %add3A_213 : i32
        %mul3A_215 = arith.constant 128 : i32
        %mul3A_216 = arith.muli %add3A_214, %mul3A_215 : i32
        %add3A_217 = arith.addi %mul3A_2, %mul3A_216 : i32
        %dma_start3A_218 = tpu.memref_slice %arg3[%add3A_217] : memref<327680xi32, #tpu.memory_space<hbm>> -> memref<128xi32, #tpu.memory_space<hbm>>
        %dma_start3A_219 = tpu.memref_slice %arg3[%add3A_217] : memref<327680xi32, #tpu.memory_space<hbm>> -> memref<128xi32, #tpu.memory_space<hbm>>
        tpu.enqueue_dma source(%dma_start3A_219 : memref<128xi32, #tpu.memory_space<hbm>>) target(%arg10 : memref<128xi32, #tpu.memory_space<vmem>>) target_semaphore(%arg21 : memref<!tpu.dma_semaphore, #tpu.memory_space<semaphore_mem>>)
      } else {
      }
      %mul3A_184 = arith.constant 4 : i32
      %mul3A_185 = arith.muli %mul3A_184, %scan3A_79 : i32
      %add3A_186 = arith.constant 3 : i32
      %add3A_187 = arith.addi %mul3A_185, %add3A_186 : i32
      %add3A_188 = arith.constant 1 : i32
      %add3A_189 = arith.addi %add3A_187, %add3A_188 : i32
      %lt3A_190 = arith.constant 19 : i32
      %lt3A_191 = arith.cmpi slt, %scan3A_79, %lt3A_190 : i32
      %convert_element_type3A_192 = arith.extui %lt3A_191 : i1 to i32
      %cond3A_193 = arith.constant 0 : i32
      %cond3A_194 = arith.cmpi ne, %convert_element_type3A_192, %cond3A_193 : i32
      scf.if %cond3A_194 {
        %dma_wait3A_213 = arith.constant 0 : i32
        %dma_wait3A_214 = arith.constant 0 : i32
        %dma_wait3A_215 = tpu.memref_slice %arg7[%dma_wait3A_213, %dma_wait3A_214] : memref<80x128xi32, #tpu.memory_space<vmem>> -> memref<1x128xi32, #tpu.memory_space<vmem>>
        %dma_wait3A_216 = tpu.memref_squeeze %dma_wait3A_215 : memref<1x128xi32, #tpu.memory_space<vmem>> -> memref<128xi32, #tpu.memory_space<vmem>>
        %dma_wait3A_217 = arith.constant 0 : i32
        %dma_wait3A_218 = arith.constant 0 : i32
        %dma_wait3A_219 = tpu.memref_slice %arg14[%dma_wait3A_217, %dma_wait3A_218] : memref<10240x128xf32, #tpu.memory_space<vmem_shared>> -> memref<10240x128xf32, #tpu.memory_space<vmem_shared>>
        tpu.wait_indirect_dma semaphore(%arg17 : memref<!tpu.dma_semaphore, #tpu.memory_space<semaphore_mem>>) src(%arg12 : memref<128x128xf32, #tpu.memory_space<vmem>>) dst(%dma_wait3A_219 : memref<10240x128xf32, #tpu.memory_space<vmem_shared>>)
        %dma_wait3A_220 = arith.constant 0 : i32
        %dma_wait3A_221 = tpu.memref_slice %arg3[%dma_wait3A_220] : memref<327680xi32, #tpu.memory_space<hbm>> -> memref<128xi32, #tpu.memory_space<hbm>>
        %dma_wait3A_222 = arith.constant 0 : i32
        %dma_wait3A_223 = tpu.memref_slice %arg3[%dma_wait3A_222] : memref<327680xi32, #tpu.memory_space<hbm>> -> memref<128xi32, #tpu.memory_space<hbm>>
        tpu.wait_dma2 semaphore(%arg19 : memref<!tpu.dma_semaphore, #tpu.memory_space<semaphore_mem>>) src(%dma_wait3A_223 : memref<128xi32, #tpu.memory_space<hbm>>) dst(%arg8 : memref<128xi32, #tpu.memory_space<vmem>>)
        %dma_start3A_224 = arith.constant 0 : i32
        %dma_start3A_225 = arith.constant 0 : i32
        %dma_start3A_226 = tpu.memref_slice %arg2[%dma_start3A_224, %dma_start3A_225] : memref<10000x128xf32, #tpu.memory_space<hbm>> -> memref<10000x128xf32, #tpu.memory_space<hbm>>
        tpu.enqueue_indirect_dma source(%dma_start3A_226 : memref<10000x128xf32, #tpu.memory_space<hbm>>) target(%arg12 : memref<128x128xf32, #tpu.memory_space<vmem>>) offsets(%arg8 : memref<128xi32, #tpu.memory_space<vmem>>) semaphore(%arg15 : memref<!tpu.dma_semaphore, #tpu.memory_space<semaphore_mem>>)
      } else {
      }
      %dma_wait3A_195 = arith.constant 0 : i32
      %dma_wait3A_196 = arith.constant 0 : i32
      %dma_wait3A_197 = tpu.memref_slice %arg2[%dma_wait3A_195, %dma_wait3A_196] : memref<10000x128xf32, #tpu.memory_space<hbm>> -> memref<10000x128xf32, #tpu.memory_space<hbm>>
      tpu.wait_indirect_dma semaphore(%arg16 : memref<!tpu.dma_semaphore, #tpu.memory_space<semaphore_mem>>) src(%dma_wait3A_197 : memref<10000x128xf32, #tpu.memory_space<hbm>>) dst(%arg13 : memref<128x128xf32, #tpu.memory_space<vmem>>)
      %sub3A_198 = arith.constant 1 : i32
      %sub3A_199 = arith.subi %add3A_189, %sub3A_198 : i32
      %dma_start3A_200 = arith.constant 0 : i32
      %dma_start3A_201 = tpu.memref_slice %arg7[%sub3A_199, %dma_start3A_200] : memref<80x128xi32, #tpu.memory_space<vmem>> -> memref<1x128xi32, #tpu.memory_space<vmem>>
      %dma_start3A_202 = tpu.memref_squeeze %dma_start3A_201 : memref<1x128xi32, #tpu.memory_space<vmem>> -> memref<128xi32, #tpu.memory_space<vmem>>
      %dma_start3A_203 = arith.constant 0 : i32
      %dma_start3A_204 = arith.constant 0 : i32
      %dma_start3A_205 = tpu.memref_slice %arg14[%dma_start3A_203, %dma_start3A_204] : memref<10240x128xf32, #tpu.memory_space<vmem_shared>> -> memref<10240x128xf32, #tpu.memory_space<vmem_shared>>
      tpu.enqueue_indirect_dma source(%arg13 : memref<128x128xf32, #tpu.memory_space<vmem>>) target(%dma_start3A_205 : memref<10240x128xf32, #tpu.memory_space<vmem_shared>>) offsets(%dma_start3A_202 : memref<128xi32, #tpu.memory_space<vmem>>) semaphore(%arg18 : memref<!tpu.dma_semaphore, #tpu.memory_space<semaphore_mem>>) {add = true}
      %add3A_206 = arith.constant 3 : i32
      %add3A_207 = arith.addi %add3A_189, %add3A_206 : i32
      %lt3A_208 = arith.constant 80 : i32
      %lt3A_209 = arith.cmpi slt, %add3A_207, %lt3A_208 : i32
      %convert_element_type3A_210 = arith.extui %lt3A_209 : i1 to i32
      %cond3A_211 = arith.constant 0 : i32
      %cond3A_212 = arith.cmpi ne, %convert_element_type3A_210, %cond3A_211 : i32
      scf.if %cond3A_212 {
        %add3A_213 = arith.constant 3 : i32
        %add3A_214 = arith.addi %add3A_189, %add3A_213 : i32
        %mul3A_215 = arith.constant 128 : i32
        %mul3A_216 = arith.muli %add3A_214, %mul3A_215 : i32
        %add3A_217 = arith.addi %mul3A_2, %mul3A_216 : i32
        %dma_start3A_218 = tpu.memref_slice %arg3[%add3A_217] : memref<327680xi32, #tpu.memory_space<hbm>> -> memref<128xi32, #tpu.memory_space<hbm>>
        %dma_start3A_219 = tpu.memref_slice %arg3[%add3A_217] : memref<327680xi32, #tpu.memory_space<hbm>> -> memref<128xi32, #tpu.memory_space<hbm>>
        tpu.enqueue_dma source(%dma_start3A_219 : memref<128xi32, #tpu.memory_space<hbm>>) target(%arg11 : memref<128xi32, #tpu.memory_space<vmem>>) target_semaphore(%arg22 : memref<!tpu.dma_semaphore, #tpu.memory_space<semaphore_mem>>)
      } else {
      }
    }
    %scan3A_56 = arith.constant 20 : i32
    %dma_wait3A_57 = arith.constant 0 : i32
    %dma_wait3A_58 = arith.constant 0 : i32
    %dma_wait3A_59 = tpu.memref_slice %arg7[%dma_wait3A_57, %dma_wait3A_58] : memref<80x128xi32, #tpu.memory_space<vmem>> -> memref<1x128xi32, #tpu.memory_space<vmem>>
    %dma_wait3A_60 = tpu.memref_squeeze %dma_wait3A_59 : memref<1x128xi32, #tpu.memory_space<vmem>> -> memref<128xi32, #tpu.memory_space<vmem>>
    %dma_wait3A_61 = arith.constant 0 : i32
    %dma_wait3A_62 = arith.constant 0 : i32
    %dma_wait3A_63 = tpu.memref_slice %arg14[%dma_wait3A_61, %dma_wait3A_62] : memref<10240x128xf32, #tpu.memory_space<vmem_shared>> -> memref<10240x128xf32, #tpu.memory_space<vmem_shared>>
    tpu.wait_indirect_dma semaphore(%arg17 : memref<!tpu.dma_semaphore, #tpu.memory_space<semaphore_mem>>) src(%arg12 : memref<128x128xf32, #tpu.memory_space<vmem>>) dst(%dma_wait3A_63 : memref<10240x128xf32, #tpu.memory_space<vmem_shared>>)
    %dma_wait3A_64 = arith.constant 0 : i32
    %dma_wait3A_65 = arith.constant 0 : i32
    %dma_wait3A_66 = tpu.memref_slice %arg7[%dma_wait3A_64, %dma_wait3A_65] : memref<80x128xi32, #tpu.memory_space<vmem>> -> memref<1x128xi32, #tpu.memory_space<vmem>>
    %dma_wait3A_67 = tpu.memref_squeeze %dma_wait3A_66 : memref<1x128xi32, #tpu.memory_space<vmem>> -> memref<128xi32, #tpu.memory_space<vmem>>
    %dma_wait3A_68 = arith.constant 0 : i32
    %dma_wait3A_69 = arith.constant 0 : i32
    %dma_wait3A_70 = tpu.memref_slice %arg14[%dma_wait3A_68, %dma_wait3A_69] : memref<10240x128xf32, #tpu.memory_space<vmem_shared>> -> memref<10240x128xf32, #tpu.memory_space<vmem_shared>>
    tpu.wait_indirect_dma semaphore(%arg18 : memref<!tpu.dma_semaphore, #tpu.memory_space<semaphore_mem>>) src(%arg13 : memref<128x128xf32, #tpu.memory_space<vmem>>) dst(%dma_wait3A_70 : memref<10240x128xf32, #tpu.memory_space<vmem_shared>>)
    %barrier3A_71 = arith.constant 0 : index
    tpu.barrier barrier_id(%barrier3A_71)
    %mul3A_72 = arith.constant 640 : i32
    %mul3A_73 = arith.muli %arg1, %mul3A_72 : i32
    %mul3A_74 = arith.constant 10240 : i32
    %mul3A_75 = arith.muli %arg0, %mul3A_74 : i32
    %mul3A_76 = arith.constant 640 : i32
    %mul3A_77 = arith.muli %arg1, %mul3A_76 : i32
    %add3A_78 = arith.addi %mul3A_75, %mul3A_77 : i32
    "tpu.region"() ({
      %run_scoped3A = tpu.sem_alloc : memref<!tpu.dma_semaphore, #tpu.memory_space<semaphore_mem>>
      %dma_start3A_79 = arith.constant 0 : i32
      %dma_start3A_80 = tpu.memref_slice %arg6[%add3A_78, %dma_start3A_79] : memref<20480x128xf32, #tpu.memory_space<hbm>> -> memref<640x128xf32, #tpu.memory_space<hbm>>
      %dma_start3A_81 = arith.constant 0 : i32
      %dma_start3A_82 = tpu.memref_slice %arg14[%mul3A_73, %dma_start3A_81] : memref<10240x128xf32, #tpu.memory_space<vmem_shared>> -> memref<640x128xf32, #tpu.memory_space<vmem_shared>>
      tpu.enqueue_dma source(%dma_start3A_82 : memref<640x128xf32, #tpu.memory_space<vmem_shared>>) target(%dma_start3A_80 : memref<640x128xf32, #tpu.memory_space<hbm>>) target_semaphore(%run_scoped3A : memref<!tpu.dma_semaphore, #tpu.memory_space<semaphore_mem>>)
      %dma_wait3A_83 = arith.constant 0 : i32
      %dma_wait3A_84 = tpu.memref_slice %arg6[%add3A_78, %dma_wait3A_83] : memref<20480x128xf32, #tpu.memory_space<hbm>> -> memref<640x128xf32, #tpu.memory_space<hbm>>
      %dma_wait3A_85 = arith.constant 0 : i32
      %dma_wait3A_86 = tpu.memref_slice %arg14[%mul3A_73, %dma_wait3A_85] : memref<10240x128xf32, #tpu.memory_space<vmem_shared>> -> memref<640x128xf32, #tpu.memory_space<vmem_shared>>
      tpu.wait_dma2 semaphore(%run_scoped3A : memref<!tpu.dma_semaphore, #tpu.memory_space<semaphore_mem>>) src(%dma_wait3A_86 : memref<640x128xf32, #tpu.memory_space<vmem_shared>>) dst(%dma_wait3A_84 : memref<640x128xf32, #tpu.memory_space<hbm>>)
      tpu.yield
    }) : () -> ()
    return
  }
}

#map = affine_map<(d0, d1) -> (0, 0)>
#map1 = affine_map<(d0, d1) -> (0)>
#map2 = affine_map<(d0, d1) -> (0, 0, 0)>
module attributes {stable_mosaic.version = 14 : i64} {
  func.func @seg_sum(%arg0: i32, %arg1: i32, %arg2: memref<10000x128xf32, #tpu.memory_space<hbm>>, %arg3: memref<327680xi32, #tpu.memory_space<hbm>>, %arg4: memref<32x80x128xi32, #tpu.memory_space<hbm>>, %arg5: memref<10240x128xf32, #tpu.memory_space<hbm>>, %arg6: memref<20480x128xf32, #tpu.memory_space<hbm>>, %arg7: memref<80x128xi32, #tpu.memory_space<vmem>>, %arg8: memref<128xi32, #tpu.memory_space<vmem>>, %arg9: memref<128xi32, #tpu.memory_space<vmem>>, %arg10: memref<128xi32, #tpu.memory_space<vmem>>, %arg11: memref<128xi32, #tpu.memory_space<vmem>>, %arg12: memref<128x128xf32, #tpu.memory_space<vmem>>, %arg13: memref<128x128xf32, #tpu.memory_space<vmem>>, %arg14: memref<10240x128xf32, #tpu.memory_space<vmem_shared>>, %arg15: memref<!tpu.dma_semaphore, #tpu.memory_space<semaphore_mem>>, %arg16: memref<!tpu.dma_semaphore, #tpu.memory_space<semaphore_mem>>, %arg17: memref<!tpu.dma_semaphore, #tpu.memory_space<semaphore_mem>>, %arg18: memref<!tpu.dma_semaphore, #tpu.memory_space<semaphore_mem>>, %arg19: memref<!tpu.dma_semaphore, #tpu.memory_space<semaphore_mem>>, %arg20: memref<!tpu.dma_semaphore, #tpu.memory_space<semaphore_mem>>, %arg21: memref<!tpu.dma_semaphore, #tpu.memory_space<semaphore_mem>>, %arg22: memref<!tpu.dma_semaphore, #tpu.memory_space<semaphore_mem>>) attributes {dimension_semantics = [#tpu.dimension_semantics<core_parallel>, #tpu.dimension_semantics<subcore_parallel>], iteration_bounds = array<i64: 2, 16>, scalar_prefetch = 0 : i64, scratch_operands = 16 : i64, tpu.core_type = #tpu.core_type<sc_vector_subcore>, window_params = [{transform_indices = #map}, {transform_indices = #map1}, {transform_indices = #map2}, {transform_indices = #map}, {transform_indices = #map}]} {
    %mul3A = arith.constant 2 : i32
    %mul3A_0 = arith.muli %arg1, %mul3A : i32
    %add3A = arith.addi %mul3A_0, %arg0 : i32
    %mul3A_1 = arith.constant 10240 : i32
    %mul3A_2 = arith.muli %add3A, %mul3A_1 : i32
    %mul3A_3 = arith.constant 640 : i32
    %mul3A_4 = arith.muli %arg1, %mul3A_3 : i32
    %mul3A_5 = arith.constant 640 : i32
    %mul3A_6 = arith.muli %arg1, %mul3A_5 : i32
    %dma_start3A = arith.constant 0 : i32
    %dma_start3A_7 = tpu.memref_slice %arg14[%mul3A_6, %dma_start3A] : memref<10240x128xf32, #tpu.memory_space<vmem_shared>> -> memref<320x128xf32, #tpu.memory_space<vmem_shared>>
    %dma_start3A_8 = arith.constant 0 : i32
    %dma_start3A_9 = tpu.memref_slice %arg5[%mul3A_4, %dma_start3A_8] : memref<10240x128xf32, #tpu.memory_space<hbm>> -> memref<320x128xf32, #tpu.memory_space<hbm>>
    tpu.enqueue_dma source(%dma_start3A_9 : memref<320x128xf32, #tpu.memory_space<hbm>>) target(%dma_start3A_7 : memref<320x128xf32, #tpu.memory_space<vmem_shared>>) target_semaphore(%arg17 : memref<!tpu.dma_semaphore, #tpu.memory_space<semaphore_mem>>)
    %mul3A_10 = arith.constant 640 : i32
    %mul3A_11 = arith.muli %arg1, %mul3A_10 : i32
    %add3A_12 = arith.constant 320 : i32
    %add3A_13 = arith.addi %mul3A_11, %add3A_12 : i32
    %mul3A_14 = arith.constant 640 : i32
    %mul3A_15 = arith.muli %arg1, %mul3A_14 : i32
    %add3A_16 = arith.constant 320 : i32
    %add3A_17 = arith.addi %mul3A_15, %add3A_16 : i32
    %dma_start3A_18 = arith.constant 0 : i32
    %dma_start3A_19 = tpu.memref_slice %arg14[%add3A_17, %dma_start3A_18] : memref<10240x128xf32, #tpu.memory_space<vmem_shared>> -> memref<320x128xf32, #tpu.memory_space<vmem_shared>>
    %dma_start3A_20 = arith.constant 0 : i32
    %dma_start3A_21 = tpu.memref_slice %arg5[%add3A_13, %dma_start3A_20] : memref<10240x128xf32, #tpu.memory_space<hbm>> -> memref<320x128xf32, #tpu.memory_space<hbm>>
    tpu.enqueue_dma source(%dma_start3A_21 : memref<320x128xf32, #tpu.memory_space<hbm>>) target(%dma_start3A_19 : memref<320x128xf32, #tpu.memory_space<vmem_shared>>) target_semaphore(%arg18 : memref<!tpu.dma_semaphore, #tpu.memory_space<semaphore_mem>>)
    %add3A_22 = arith.constant 0 : i32
    %add3A_23 = arith.addi %mul3A_2, %add3A_22 : i32
    %dma_start3A_24 = tpu.memref_slice %arg3[%add3A_23] : memref<327680xi32, #tpu.memory_space<hbm>> -> memref<128xi32, #tpu.memory_space<hbm>>
    %dma_start3A_25 = tpu.memref_slice %arg3[%add3A_23] : memref<327680xi32, #tpu.memory_space<hbm>> -> memref<128xi32, #tpu.memory_space<hbm>>
    tpu.enqueue_dma source(%dma_start3A_25 : memref<128xi32, #tpu.memory_space<hbm>>) target(%arg8 : memref<128xi32, #tpu.memory_space<vmem>>) target_semaphore(%arg19 : memref<!tpu.dma_semaphore, #tpu.memory_space<semaphore_mem>>)
    %add3A_26 = arith.constant 128 : i32
    %add3A_27 = arith.addi %mul3A_2, %add3A_26 : i32
    %dma_start3A_28 = tpu.memref_slice %arg3[%add3A_27] : memref<327680xi32, #tpu.memory_space<hbm>> -> memref<128xi32, #tpu.memory_space<hbm>>
    %dma_start3A_29 = tpu.memref_slice %arg3[%add3A_27] : memref<327680xi32, #tpu.memory_space<hbm>> -> memref<128xi32, #tpu.memory_space<hbm>>
    tpu.enqueue_dma source(%dma_start3A_29 : memref<128xi32, #tpu.memory_space<hbm>>) target(%arg9 : memref<128xi32, #tpu.memory_space<vmem>>) target_semaphore(%arg20 : memref<!tpu.dma_semaphore, #tpu.memory_space<semaphore_mem>>)
    %add3A_30 = arith.constant 256 : i32
    %add3A_31 = arith.addi %mul3A_2, %add3A_30 : i32
    %dma_start3A_32 = tpu.memref_slice %arg3[%add3A_31] : memref<327680xi32, #tpu.memory_space<hbm>> -> memref<128xi32, #tpu.memory_space<hbm>>
    %dma_start3A_33 = tpu.memref_slice %arg3[%add3A_31] : memref<327680xi32, #tpu.memory_space<hbm>> -> memref<128xi32, #tpu.memory_space<hbm>>
    tpu.enqueue_dma source(%dma_start3A_33 : memref<128xi32, #tpu.memory_space<hbm>>) target(%arg10 : memref<128xi32, #tpu.memory_space<vmem>>) target_semaphore(%arg21 : memref<!tpu.dma_semaphore, #tpu.memory_space<semaphore_mem>>)
    "tpu.region"() ({
      %run_scoped3A = tpu.sem_alloc : memref<!tpu.dma_semaphore, #tpu.memory_space<semaphore_mem>>
      %dma_start3A_79 = arith.constant 0 : i32
      %dma_start3A_80 = arith.constant 0 : i32
      %dma_start3A_81 = tpu.memref_slice %arg4[%add3A, %dma_start3A_79, %dma_start3A_80] : memref<32x80x128xi32, #tpu.memory_space<hbm>> -> memref<1x80x128xi32, #tpu.memory_space<hbm>>
      %dma_start3A_82 = tpu.memref_squeeze %dma_start3A_81 : memref<1x80x128xi32, #tpu.memory_space<hbm>> -> memref<80x128xi32, #tpu.memory_space<hbm>>
      %dma_start3A_83 = arith.constant 0 : i32
      %dma_start3A_84 = arith.constant 0 : i32
      %dma_start3A_85 = tpu.memref_slice %arg4[%add3A, %dma_start3A_83, %dma_start3A_84] : memref<32x80x128xi32, #tpu.memory_space<hbm>> -> memref<1x80x128xi32, #tpu.memory_space<hbm>>
      %dma_start3A_86 = tpu.memref_squeeze %dma_start3A_85 : memref<1x80x128xi32, #tpu.memory_space<hbm>> -> memref<80x128xi32, #tpu.memory_space<hbm>>
      tpu.enqueue_dma source(%dma_start3A_86 : memref<80x128xi32, #tpu.memory_space<hbm>>) target(%arg7 : memref<80x128xi32, #tpu.memory_space<vmem>>) target_semaphore(%run_scoped3A : memref<!tpu.dma_semaphore, #tpu.memory_space<semaphore_mem>>)
      %dma_wait3A_87 = arith.constant 0 : i32
      %dma_wait3A_88 = arith.constant 0 : i32
      %dma_wait3A_89 = tpu.memref_slice %arg4[%add3A, %dma_wait3A_87, %dma_wait3A_88] : memref<32x80x128xi32, #tpu.memory_space<hbm>> -> memref<1x80x128xi32, #tpu.memory_space<hbm>>
      %dma_wait3A_90 = tpu.memref_squeeze %dma_wait3A_89 : memref<1x80x128xi32, #tpu.memory_space<hbm>> -> memref<80x128xi32, #tpu.memory_space<hbm>>
      %dma_wait3A_91 = arith.constant 0 : i32
      %dma_wait3A_92 = arith.constant 0 : i32
      %dma_wait3A_93 = tpu.memref_slice %arg4[%add3A, %dma_wait3A_91, %dma_wait3A_92] : memref<32x80x128xi32, #tpu.memory_space<hbm>> -> memref<1x80x128xi32, #tpu.memory_space<hbm>>
      %dma_wait3A_94 = tpu.memref_squeeze %dma_wait3A_93 : memref<1x80x128xi32, #tpu.memory_space<hbm>> -> memref<80x128xi32, #tpu.memory_space<hbm>>
      tpu.wait_dma2 semaphore(%run_scoped3A : memref<!tpu.dma_semaphore, #tpu.memory_space<semaphore_mem>>) src(%dma_wait3A_94 : memref<80x128xi32, #tpu.memory_space<hbm>>) dst(%arg7 : memref<80x128xi32, #tpu.memory_space<vmem>>)
      tpu.yield
    }) : () -> ()
    %dma_wait3A = arith.constant 0 : i32
    %dma_wait3A_34 = tpu.memref_slice %arg3[%dma_wait3A] : memref<327680xi32, #tpu.memory_space<hbm>> -> memref<128xi32, #tpu.memory_space<hbm>>
    %dma_wait3A_35 = arith.constant 0 : i32
    %dma_wait3A_36 = tpu.memref_slice %arg3[%dma_wait3A_35] : memref<327680xi32, #tpu.memory_space<hbm>> -> memref<128xi32, #tpu.memory_space<hbm>>
    tpu.wait_dma2 semaphore(%arg19 : memref<!tpu.dma_semaphore, #tpu.memory_space<semaphore_mem>>) src(%dma_wait3A_36 : memref<128xi32, #tpu.memory_space<hbm>>) dst(%arg8 : memref<128xi32, #tpu.memory_space<vmem>>)
    %dma_start3A_37 = arith.constant 0 : i32
    %dma_start3A_38 = arith.constant 0 : i32
    %dma_start3A_39 = tpu.memref_slice %arg2[%dma_start3A_37, %dma_start3A_38] : memref<10000x128xf32, #tpu.memory_space<hbm>> -> memref<10000x128xf32, #tpu.memory_space<hbm>>
    tpu.enqueue_indirect_dma source(%dma_start3A_39 : memref<10000x128xf32, #tpu.memory_space<hbm>>) target(%arg12 : memref<128x128xf32, #tpu.memory_space<vmem>>) offsets(%arg8 : memref<128xi32, #tpu.memory_space<vmem>>) semaphore(%arg15 : memref<!tpu.dma_semaphore, #tpu.memory_space<semaphore_mem>>)
    %add3A_40 = arith.constant 384 : i32
    %add3A_41 = arith.addi %mul3A_2, %add3A_40 : i32
    %dma_start3A_42 = tpu.memref_slice %arg3[%add3A_41] : memref<327680xi32, #tpu.memory_space<hbm>> -> memref<128xi32, #tpu.memory_space<hbm>>
    %dma_start3A_43 = tpu.memref_slice %arg3[%add3A_41] : memref<327680xi32, #tpu.memory_space<hbm>> -> memref<128xi32, #tpu.memory_space<hbm>>
    tpu.enqueue_dma source(%dma_start3A_43 : memref<128xi32, #tpu.memory_space<hbm>>) target(%arg11 : memref<128xi32, #tpu.memory_space<vmem>>) target_semaphore(%arg22 : memref<!tpu.dma_semaphore, #tpu.memory_space<semaphore_mem>>)
    %dma_wait3A_44 = arith.constant 0 : i32
    %dma_wait3A_45 = tpu.memref_slice %arg14[%mul3A_6, %dma_wait3A_44] : memref<10240x128xf32, #tpu.memory_space<vmem_shared>> -> memref<320x128xf32, #tpu.memory_space<vmem_shared>>
    %dma_wait3A_46 = arith.constant 0 : i32
    %dma_wait3A_47 = tpu.memref_slice %arg5[%mul3A_4, %dma_wait3A_46] : memref<10240x128xf32, #tpu.memory_space<hbm>> -> memref<320x128xf32, #tpu.memory_space<hbm>>
    tpu.wait_dma2 semaphore(%arg17 : memref<!tpu.dma_semaphore, #tpu.memory_space<semaphore_mem>>) src(%dma_wait3A_47 : memref<320x128xf32, #tpu.memory_space<hbm>>) dst(%dma_wait3A_45 : memref<320x128xf32, #tpu.memory_space<vmem_shared>>)
    %dma_wait3A_48 = arith.constant 0 : i32
    %dma_wait3A_49 = tpu.memref_slice %arg14[%add3A_17, %dma_wait3A_48] : memref<10240x128xf32, #tpu.memory_space<vmem_shared>> -> memref<320x128xf32, #tpu.memory_space<vmem_shared>>
    %dma_wait3A_50 = arith.constant 0 : i32
    %dma_wait3A_51 = tpu.memref_slice %arg5[%add3A_13, %dma_wait3A_50] : memref<10240x128xf32, #tpu.memory_space<hbm>> -> memref<320x128xf32, #tpu.memory_space<hbm>>
    tpu.wait_dma2 semaphore(%arg18 : memref<!tpu.dma_semaphore, #tpu.memory_space<semaphore_mem>>) src(%dma_wait3A_51 : memref<320x128xf32, #tpu.memory_space<hbm>>) dst(%dma_wait3A_49 : memref<320x128xf32, #tpu.memory_space<vmem_shared>>)
    %barrier3A = arith.constant 0 : index
    tpu.barrier barrier_id(%barrier3A)
    %scan3A = arith.constant 0 : i32
    %scan3A_52 = arith.constant 0 : i32
    %scan3A_53 = arith.constant 20 : i32
    %scan3A_54 = arith.addi %scan3A_52, %scan3A_53 : i32
    %scan3A_55 = arith.constant 1 : i32
    scf.for %scan3A_79 = %scan3A_52 to %scan3A_54 step %scan3A_55  : i32 {
      %mul3A_80 = arith.constant 4 : i32
      %mul3A_81 = arith.muli %mul3A_80, %scan3A_79 : i32
      %add3A_82 = arith.constant 0 : i32
      %add3A_83 = arith.addi %mul3A_81, %add3A_82 : i32
      %add3A_84 = arith.constant 1 : i32
      %add3A_85 = arith.addi %add3A_83, %add3A_84 : i32
      %gt3A = arith.constant 0 : i32
      %gt3A_86 = arith.cmpi sgt, %scan3A_79, %gt3A : i32
      %convert_element_type3A = arith.extui %gt3A_86 : i1 to i32
      %cond3A = arith.constant 0 : i32
      %cond3A_87 = arith.cmpi ne, %convert_element_type3A, %cond3A : i32
      scf.if %cond3A_87 {
        %dma_wait3A_213 = arith.constant 0 : i32
        %dma_wait3A_214 = arith.constant 0 : i32
        %dma_wait3A_215 = tpu.memref_slice %arg7[%dma_wait3A_213, %dma_wait3A_214] : memref<80x128xi32, #tpu.memory_space<vmem>> -> memref<1x128xi32, #tpu.memory_space<vmem>>
        %dma_wait3A_216 = tpu.memref_squeeze %dma_wait3A_215 : memref<1x128xi32, #tpu.memory_space<vmem>> -> memref<128xi32, #tpu.memory_space<vmem>>
        %dma_wait3A_217 = arith.constant 0 : i32
        %dma_wait3A_218 = arith.constant 0 : i32
        %dma_wait3A_219 = tpu.memref_slice %arg14[%dma_wait3A_217, %dma_wait3A_218] : memref<10240x128xf32, #tpu.memory_space<vmem_shared>> -> memref<10240x128xf32, #tpu.memory_space<vmem_shared>>
        tpu.wait_indirect_dma semaphore(%arg18 : memref<!tpu.dma_semaphore, #tpu.memory_space<semaphore_mem>>) src(%arg13 : memref<128x128xf32, #tpu.memory_space<vmem>>) dst(%dma_wait3A_219 : memref<10240x128xf32, #tpu.memory_space<vmem_shared>>)
        %dma_wait3A_220 = arith.constant 0 : i32
        %dma_wait3A_221 = tpu.memref_slice %arg3[%dma_wait3A_220] : memref<327680xi32, #tpu.memory_space<hbm>> -> memref<128xi32, #tpu.memory_space<hbm>>
        %dma_wait3A_222 = arith.constant 0 : i32
        %dma_wait3A_223 = tpu.memref_slice %arg3[%dma_wait3A_222] : memref<327680xi32, #tpu.memory_space<hbm>> -> memref<128xi32, #tpu.memory_space<hbm>>
        tpu.wait_dma2 semaphore(%arg20 : memref<!tpu.dma_semaphore, #tpu.memory_space<semaphore_mem>>) src(%dma_wait3A_223 : memref<128xi32, #tpu.memory_space<hbm>>) dst(%arg9 : memref<128xi32, #tpu.memory_space<vmem>>)
        %dma_start3A_224 = arith.constant 0 : i32
        %dma_start3A_225 = arith.constant 0 : i32
        %dma_start3A_226 = tpu.memref_slice %arg2[%dma_start3A_224, %dma_start3A_225] : memref<10000x128xf32, #tpu.memory_space<hbm>> -> memref<10000x128xf32, #tpu.memory_space<hbm>>
        tpu.enqueue_indirect_dma source(%dma_start3A_226 : memref<10000x128xf32, #tpu.memory_space<hbm>>) target(%arg13 : memref<128x128xf32, #tpu.memory_space<vmem>>) offsets(%arg9 : memref<128xi32, #tpu.memory_space<vmem>>) semaphore(%arg16 : memref<!tpu.dma_semaphore, #tpu.memory_space<semaphore_mem>>)
      } else {
      }
      %eq3A = arith.constant 0 : i32
      %eq3A_88 = arith.cmpi eq, %scan3A_79, %eq3A : i32
      %convert_element_type3A_89 = arith.extui %eq3A_88 : i1 to i32
      %cond3A_90 = arith.constant 0 : i32
      %cond3A_91 = arith.cmpi ne, %convert_element_type3A_89, %cond3A_90 : i32
      scf.if %cond3A_91 {
        %dma_wait3A_213 = arith.constant 0 : i32
        %dma_wait3A_214 = tpu.memref_slice %arg3[%dma_wait3A_213] : memref<327680xi32, #tpu.memory_space<hbm>> -> memref<128xi32, #tpu.memory_space<hbm>>
        %dma_wait3A_215 = arith.constant 0 : i32
        %dma_wait3A_216 = tpu.memref_slice %arg3[%dma_wait3A_215] : memref<327680xi32, #tpu.memory_space<hbm>> -> memref<128xi32, #tpu.memory_space<hbm>>
        tpu.wait_dma2 semaphore(%arg20 : memref<!tpu.dma_semaphore, #tpu.memory_space<semaphore_mem>>) src(%dma_wait3A_216 : memref<128xi32, #tpu.memory_space<hbm>>) dst(%arg9 : memref<128xi32, #tpu.memory_space<vmem>>)
        %dma_start3A_217 = arith.constant 0 : i32
        %dma_start3A_218 = arith.constant 0 : i32
        %dma_start3A_219 = tpu.memref_slice %arg2[%dma_start3A_217, %dma_start3A_218] : memref<10000x128xf32, #tpu.memory_space<hbm>> -> memref<10000x128xf32, #tpu.memory_space<hbm>>
        tpu.enqueue_indirect_dma source(%dma_start3A_219 : memref<10000x128xf32, #tpu.memory_space<hbm>>) target(%arg13 : memref<128x128xf32, #tpu.memory_space<vmem>>) offsets(%arg9 : memref<128xi32, #tpu.memory_space<vmem>>) semaphore(%arg16 : memref<!tpu.dma_semaphore, #tpu.memory_space<semaphore_mem>>)
      } else {
      }
      %dma_wait3A_92 = arith.constant 0 : i32
      %dma_wait3A_93 = arith.constant 0 : i32
      %dma_wait3A_94 = tpu.memref_slice %arg2[%dma_wait3A_92, %dma_wait3A_93] : memref<10000x128xf32, #tpu.memory_space<hbm>> -> memref<10000x128xf32, #tpu.memory_space<hbm>>
      tpu.wait_indirect_dma semaphore(%arg15 : memref<!tpu.dma_semaphore, #tpu.memory_space<semaphore_mem>>) src(%dma_wait3A_94 : memref<10000x128xf32, #tpu.memory_space<hbm>>) dst(%arg12 : memref<128x128xf32, #tpu.memory_space<vmem>>)
      %sub3A = arith.constant 1 : i32
      %sub3A_95 = arith.subi %add3A_85, %sub3A : i32
      %dma_start3A_96 = arith.constant 0 : i32
      %dma_start3A_97 = tpu.memref_slice %arg7[%sub3A_95, %dma_start3A_96] : memref<80x128xi32, #tpu.memory_space<vmem>> -> memref<1x128xi32, #tpu.memory_space<vmem>>
      %dma_start3A_98 = tpu.memref_squeeze %dma_start3A_97 : memref<1x128xi32, #tpu.memory_space<vmem>> -> memref<128xi32, #tpu.memory_space<vmem>>
      %dma_start3A_99 = arith.constant 0 : i32
      %dma_start3A_100 = arith.constant 0 : i32
      %dma_start3A_101 = tpu.memref_slice %arg14[%dma_start3A_99, %dma_start3A_100] : memref<10240x128xf32, #tpu.memory_space<vmem_shared>> -> memref<10240x128xf32, #tpu.memory_space<vmem_shared>>
      tpu.enqueue_indirect_dma source(%arg12 : memref<128x128xf32, #tpu.memory_space<vmem>>) target(%dma_start3A_101 : memref<10240x128xf32, #tpu.memory_space<vmem_shared>>) offsets(%dma_start3A_98 : memref<128xi32, #tpu.memory_space<vmem>>) semaphore(%arg17 : memref<!tpu.dma_semaphore, #tpu.memory_space<semaphore_mem>>) {add = true}
      %add3A_102 = arith.constant 3 : i32
      %add3A_103 = arith.addi %add3A_85, %add3A_102 : i32
      %lt3A = arith.constant 80 : i32
      %lt3A_104 = arith.cmpi slt, %add3A_103, %lt3A : i32
      %convert_element_type3A_105 = arith.extui %lt3A_104 : i1 to i32
      %cond3A_106 = arith.constant 0 : i32
      %cond3A_107 = arith.cmpi ne, %convert_element_type3A_105, %cond3A_106 : i32
      scf.if %cond3A_107 {
        %add3A_213 = arith.constant 3 : i32
        %add3A_214 = arith.addi %add3A_85, %add3A_213 : i32
        %mul3A_215 = arith.constant 128 : i32
        %mul3A_216 = arith.muli %add3A_214, %mul3A_215 : i32
        %add3A_217 = arith.addi %mul3A_2, %mul3A_216 : i32
        %dma_start3A_218 = tpu.memref_slice %arg3[%add3A_217] : memref<327680xi32, #tpu.memory_space<hbm>> -> memref<128xi32, #tpu.memory_space<hbm>>
        %dma_start3A_219 = tpu.memref_slice %arg3[%add3A_217] : memref<327680xi32, #tpu.memory_space<hbm>> -> memref<128xi32, #tpu.memory_space<hbm>>
        tpu.enqueue_dma source(%dma_start3A_219 : memref<128xi32, #tpu.memory_space<hbm>>) target(%arg8 : memref<128xi32, #tpu.memory_space<vmem>>) target_semaphore(%arg19 : memref<!tpu.dma_semaphore, #tpu.memory_space<semaphore_mem>>)
      } else {
      }
      %mul3A_108 = arith.constant 4 : i32
      %mul3A_109 = arith.muli %mul3A_108, %scan3A_79 : i32
      %add3A_110 = arith.constant 1 : i32
      %add3A_111 = arith.addi %mul3A_109, %add3A_110 : i32
      %add3A_112 = arith.constant 1 : i32
      %add3A_113 = arith.addi %add3A_111, %add3A_112 : i32
      %dma_wait3A_114 = arith.constant 0 : i32
      %dma_wait3A_115 = arith.constant 0 : i32
      %dma_wait3A_116 = tpu.memref_slice %arg7[%dma_wait3A_114, %dma_wait3A_115] : memref<80x128xi32, #tpu.memory_space<vmem>> -> memref<1x128xi32, #tpu.memory_space<vmem>>
      %dma_wait3A_117 = tpu.memref_squeeze %dma_wait3A_116 : memref<1x128xi32, #tpu.memory_space<vmem>> -> memref<128xi32, #tpu.memory_space<vmem>>
      %dma_wait3A_118 = arith.constant 0 : i32
      %dma_wait3A_119 = arith.constant 0 : i32
      %dma_wait3A_120 = tpu.memref_slice %arg14[%dma_wait3A_118, %dma_wait3A_119] : memref<10240x128xf32, #tpu.memory_space<vmem_shared>> -> memref<10240x128xf32, #tpu.memory_space<vmem_shared>>
      tpu.wait_indirect_dma semaphore(%arg17 : memref<!tpu.dma_semaphore, #tpu.memory_space<semaphore_mem>>) src(%arg12 : memref<128x128xf32, #tpu.memory_space<vmem>>) dst(%dma_wait3A_120 : memref<10240x128xf32, #tpu.memory_space<vmem_shared>>)
      %dma_wait3A_121 = arith.constant 0 : i32
      %dma_wait3A_122 = tpu.memref_slice %arg3[%dma_wait3A_121] : memref<327680xi32, #tpu.memory_space<hbm>> -> memref<128xi32, #tpu.memory_space<hbm>>
      %dma_wait3A_123 = arith.constant 0 : i32
      %dma_wait3A_124 = tpu.memref_slice %arg3[%dma_wait3A_123] : memref<327680xi32, #tpu.memory_space<hbm>> -> memref<128xi32, #tpu.memory_space<hbm>>
      tpu.wait_dma2 semaphore(%arg21 : memref<!tpu.dma_semaphore, #tpu.memory_space<semaphore_mem>>) src(%dma_wait3A_124 : memref<128xi32, #tpu.memory_space<hbm>>) dst(%arg10 : memref<128xi32, #tpu.memory_space<vmem>>)
      %dma_start3A_125 = arith.constant 0 : i32
      %dma_start3A_126 = arith.constant 0 : i32
      %dma_start3A_127 = tpu.memref_slice %arg2[%dma_start3A_125, %dma_start3A_126] : memref<10000x128xf32, #tpu.memory_space<hbm>> -> memref<10000x128xf32, #tpu.memory_space<hbm>>
      tpu.enqueue_indirect_dma source(%dma_start3A_127 : memref<10000x128xf32, #tpu.memory_space<hbm>>) target(%arg12 : memref<128x128xf32, #tpu.memory_space<vmem>>) offsets(%arg10 : memref<128xi32, #tpu.memory_space<vmem>>) semaphore(%arg15 : memref<!tpu.dma_semaphore, #tpu.memory_space<semaphore_mem>>)
      %dma_wait3A_128 = arith.constant 0 : i32
      %dma_wait3A_129 = arith.constant 0 : i32
      %dma_wait3A_130 = tpu.memref_slice %arg2[%dma_wait3A_128, %dma_wait3A_129] : memref<10000x128xf32, #tpu.memory_space<hbm>> -> memref<10000x128xf32, #tpu.memory_space<hbm>>
      tpu.wait_indirect_dma semaphore(%arg16 : memref<!tpu.dma_semaphore, #tpu.memory_space<semaphore_mem>>) src(%dma_wait3A_130 : memref<10000x128xf32, #tpu.memory_space<hbm>>) dst(%arg13 : memref<128x128xf32, #tpu.memory_space<vmem>>)
      %sub3A_131 = arith.constant 1 : i32
      %sub3A_132 = arith.subi %add3A_113, %sub3A_131 : i32
      %dma_start3A_133 = arith.constant 0 : i32
      %dma_start3A_134 = tpu.memref_slice %arg7[%sub3A_132, %dma_start3A_133] : memref<80x128xi32, #tpu.memory_space<vmem>> -> memref<1x128xi32, #tpu.memory_space<vmem>>
      %dma_start3A_135 = tpu.memref_squeeze %dma_start3A_134 : memref<1x128xi32, #tpu.memory_space<vmem>> -> memref<128xi32, #tpu.memory_space<vmem>>
      %dma_start3A_136 = arith.constant 0 : i32
      %dma_start3A_137 = arith.constant 0 : i32
      %dma_start3A_138 = tpu.memref_slice %arg14[%dma_start3A_136, %dma_start3A_137] : memref<10240x128xf32, #tpu.memory_space<vmem_shared>> -> memref<10240x128xf32, #tpu.memory_space<vmem_shared>>
      tpu.enqueue_indirect_dma source(%arg13 : memref<128x128xf32, #tpu.memory_space<vmem>>) target(%dma_start3A_138 : memref<10240x128xf32, #tpu.memory_space<vmem_shared>>) offsets(%dma_start3A_135 : memref<128xi32, #tpu.memory_space<vmem>>) semaphore(%arg18 : memref<!tpu.dma_semaphore, #tpu.memory_space<semaphore_mem>>) {add = true}
      %add3A_139 = arith.constant 3 : i32
      %add3A_140 = arith.addi %add3A_113, %add3A_139 : i32
      %lt3A_141 = arith.constant 80 : i32
      %lt3A_142 = arith.cmpi slt, %add3A_140, %lt3A_141 : i32
      %convert_element_type3A_143 = arith.extui %lt3A_142 : i1 to i32
      %cond3A_144 = arith.constant 0 : i32
      %cond3A_145 = arith.cmpi ne, %convert_element_type3A_143, %cond3A_144 : i32
      scf.if %cond3A_145 {
        %add3A_213 = arith.constant 3 : i32
        %add3A_214 = arith.addi %add3A_113, %add3A_213 : i32
        %mul3A_215 = arith.constant 128 : i32
        %mul3A_216 = arith.muli %add3A_214, %mul3A_215 : i32
        %add3A_217 = arith.addi %mul3A_2, %mul3A_216 : i32
        %dma_start3A_218 = tpu.memref_slice %arg3[%add3A_217] : memref<327680xi32, #tpu.memory_space<hbm>> -> memref<128xi32, #tpu.memory_space<hbm>>
        %dma_start3A_219 = tpu.memref_slice %arg3[%add3A_217] : memref<327680xi32, #tpu.memory_space<hbm>> -> memref<128xi32, #tpu.memory_space<hbm>>
        tpu.enqueue_dma source(%dma_start3A_219 : memref<128xi32, #tpu.memory_space<hbm>>) target(%arg9 : memref<128xi32, #tpu.memory_space<vmem>>) target_semaphore(%arg20 : memref<!tpu.dma_semaphore, #tpu.memory_space<semaphore_mem>>)
      } else {
      }
      %mul3A_146 = arith.constant 4 : i32
      %mul3A_147 = arith.muli %mul3A_146, %scan3A_79 : i32
      %add3A_148 = arith.constant 2 : i32
      %add3A_149 = arith.addi %mul3A_147, %add3A_148 : i32
      %add3A_150 = arith.constant 1 : i32
      %add3A_151 = arith.addi %add3A_149, %add3A_150 : i32
      %dma_wait3A_152 = arith.constant 0 : i32
      %dma_wait3A_153 = arith.constant 0 : i32
      %dma_wait3A_154 = tpu.memref_slice %arg7[%dma_wait3A_152, %dma_wait3A_153] : memref<80x128xi32, #tpu.memory_space<vmem>> -> memref<1x128xi32, #tpu.memory_space<vmem>>
      %dma_wait3A_155 = tpu.memref_squeeze %dma_wait3A_154 : memref<1x128xi32, #tpu.memory_space<vmem>> -> memref<128xi32, #tpu.memory_space<vmem>>
      %dma_wait3A_156 = arith.constant 0 : i32
      %dma_wait3A_157 = arith.constant 0 : i32
      %dma_wait3A_158 = tpu.memref_slice %arg14[%dma_wait3A_156, %dma_wait3A_157] : memref<10240x128xf32, #tpu.memory_space<vmem_shared>> -> memref<10240x128xf32, #tpu.memory_space<vmem_shared>>
      tpu.wait_indirect_dma semaphore(%arg18 : memref<!tpu.dma_semaphore, #tpu.memory_space<semaphore_mem>>) src(%arg13 : memref<128x128xf32, #tpu.memory_space<vmem>>) dst(%dma_wait3A_158 : memref<10240x128xf32, #tpu.memory_space<vmem_shared>>)
      %dma_wait3A_159 = arith.constant 0 : i32
      %dma_wait3A_160 = tpu.memref_slice %arg3[%dma_wait3A_159] : memref<327680xi32, #tpu.memory_space<hbm>> -> memref<128xi32, #tpu.memory_space<hbm>>
      %dma_wait3A_161 = arith.constant 0 : i32
      %dma_wait3A_162 = tpu.memref_slice %arg3[%dma_wait3A_161] : memref<327680xi32, #tpu.memory_space<hbm>> -> memref<128xi32, #tpu.memory_space<hbm>>
      tpu.wait_dma2 semaphore(%arg22 : memref<!tpu.dma_semaphore, #tpu.memory_space<semaphore_mem>>) src(%dma_wait3A_162 : memref<128xi32, #tpu.memory_space<hbm>>) dst(%arg11 : memref<128xi32, #tpu.memory_space<vmem>>)
      %dma_start3A_163 = arith.constant 0 : i32
      %dma_start3A_164 = arith.constant 0 : i32
      %dma_start3A_165 = tpu.memref_slice %arg2[%dma_start3A_163, %dma_start3A_164] : memref<10000x128xf32, #tpu.memory_space<hbm>> -> memref<10000x128xf32, #tpu.memory_space<hbm>>
      tpu.enqueue_indirect_dma source(%dma_start3A_165 : memref<10000x128xf32, #tpu.memory_space<hbm>>) target(%arg13 : memref<128x128xf32, #tpu.memory_space<vmem>>) offsets(%arg11 : memref<128xi32, #tpu.memory_space<vmem>>) semaphore(%arg16 : memref<!tpu.dma_semaphore, #tpu.memory_space<semaphore_mem>>)
      %dma_wait3A_166 = arith.constant 0 : i32
      %dma_wait3A_167 = arith.constant 0 : i32
      %dma_wait3A_168 = tpu.memref_slice %arg2[%dma_wait3A_166, %dma_wait3A_167] : memref<10000x128xf32, #tpu.memory_space<hbm>> -> memref<10000x128xf32, #tpu.memory_space<hbm>>
      tpu.wait_indirect_dma semaphore(%arg15 : memref<!tpu.dma_semaphore, #tpu.memory_space<semaphore_mem>>) src(%dma_wait3A_168 : memref<10000x128xf32, #tpu.memory_space<hbm>>) dst(%arg12 : memref<128x128xf32, #tpu.memory_space<vmem>>)
      %sub3A_169 = arith.constant 1 : i32
      %sub3A_170 = arith.subi %add3A_151, %sub3A_169 : i32
      %dma_start3A_171 = arith.constant 0 : i32
      %dma_start3A_172 = tpu.memref_slice %arg7[%sub3A_170, %dma_start3A_171] : memref<80x128xi32, #tpu.memory_space<vmem>> -> memref<1x128xi32, #tpu.memory_space<vmem>>
      %dma_start3A_173 = tpu.memref_squeeze %dma_start3A_172 : memref<1x128xi32, #tpu.memory_space<vmem>> -> memref<128xi32, #tpu.memory_space<vmem>>
      %dma_start3A_174 = arith.constant 0 : i32
      %dma_start3A_175 = arith.constant 0 : i32
      %dma_start3A_176 = tpu.memref_slice %arg14[%dma_start3A_174, %dma_start3A_175] : memref<10240x128xf32, #tpu.memory_space<vmem_shared>> -> memref<10240x128xf32, #tpu.memory_space<vmem_shared>>
      tpu.enqueue_indirect_dma source(%arg12 : memref<128x128xf32, #tpu.memory_space<vmem>>) target(%dma_start3A_176 : memref<10240x128xf32, #tpu.memory_space<vmem_shared>>) offsets(%dma_start3A_173 : memref<128xi32, #tpu.memory_space<vmem>>) semaphore(%arg17 : memref<!tpu.dma_semaphore, #tpu.memory_space<semaphore_mem>>) {add = true}
      %add3A_177 = arith.constant 3 : i32
      %add3A_178 = arith.addi %add3A_151, %add3A_177 : i32
      %lt3A_179 = arith.constant 80 : i32
      %lt3A_180 = arith.cmpi slt, %add3A_178, %lt3A_179 : i32
      %convert_element_type3A_181 = arith.extui %lt3A_180 : i1 to i32
      %cond3A_182 = arith.constant 0 : i32
      %cond3A_183 = arith.cmpi ne, %convert_element_type3A_181, %cond3A_182 : i32
      scf.if %cond3A_183 {
        %add3A_213 = arith.constant 3 : i32
        %add3A_214 = arith.addi %add3A_151, %add3A_213 : i32
        %mul3A_215 = arith.constant 128 : i32
        %mul3A_216 = arith.muli %add3A_214, %mul3A_215 : i32
        %add3A_217 = arith.addi %mul3A_2, %mul3A_216 : i32
        %dma_start3A_218 = tpu.memref_slice %arg3[%add3A_217] : memref<327680xi32, #tpu.memory_space<hbm>> -> memref<128xi32, #tpu.memory_space<hbm>>
        %dma_start3A_219 = tpu.memref_slice %arg3[%add3A_217] : memref<327680xi32, #tpu.memory_space<hbm>> -> memref<128xi32, #tpu.memory_space<hbm>>
        tpu.enqueue_dma source(%dma_start3A_219 : memref<128xi32, #tpu.memory_space<hbm>>) target(%arg10 : memref<128xi32, #tpu.memory_space<vmem>>) target_semaphore(%arg21 : memref<!tpu.dma_semaphore, #tpu.memory_space<semaphore_mem>>)
      } else {
      }
      %mul3A_184 = arith.constant 4 : i32
      %mul3A_185 = arith.muli %mul3A_184, %scan3A_79 : i32
      %add3A_186 = arith.constant 3 : i32
      %add3A_187 = arith.addi %mul3A_185, %add3A_186 : i32
      %add3A_188 = arith.constant 1 : i32
      %add3A_189 = arith.addi %add3A_187, %add3A_188 : i32
      %lt3A_190 = arith.constant 19 : i32
      %lt3A_191 = arith.cmpi slt, %scan3A_79, %lt3A_190 : i32
      %convert_element_type3A_192 = arith.extui %lt3A_191 : i1 to i32
      %cond3A_193 = arith.constant 0 : i32
      %cond3A_194 = arith.cmpi ne, %convert_element_type3A_192, %cond3A_193 : i32
      scf.if %cond3A_194 {
        %dma_wait3A_213 = arith.constant 0 : i32
        %dma_wait3A_214 = arith.constant 0 : i32
        %dma_wait3A_215 = tpu.memref_slice %arg7[%dma_wait3A_213, %dma_wait3A_214] : memref<80x128xi32, #tpu.memory_space<vmem>> -> memref<1x128xi32, #tpu.memory_space<vmem>>
        %dma_wait3A_216 = tpu.memref_squeeze %dma_wait3A_215 : memref<1x128xi32, #tpu.memory_space<vmem>> -> memref<128xi32, #tpu.memory_space<vmem>>
        %dma_wait3A_217 = arith.constant 0 : i32
        %dma_wait3A_218 = arith.constant 0 : i32
        %dma_wait3A_219 = tpu.memref_slice %arg14[%dma_wait3A_217, %dma_wait3A_218] : memref<10240x128xf32, #tpu.memory_space<vmem_shared>> -> memref<10240x128xf32, #tpu.memory_space<vmem_shared>>
        tpu.wait_indirect_dma semaphore(%arg17 : memref<!tpu.dma_semaphore, #tpu.memory_space<semaphore_mem>>) src(%arg12 : memref<128x128xf32, #tpu.memory_space<vmem>>) dst(%dma_wait3A_219 : memref<10240x128xf32, #tpu.memory_space<vmem_shared>>)
        %dma_wait3A_220 = arith.constant 0 : i32
        %dma_wait3A_221 = tpu.memref_slice %arg3[%dma_wait3A_220] : memref<327680xi32, #tpu.memory_space<hbm>> -> memref<128xi32, #tpu.memory_space<hbm>>
        %dma_wait3A_222 = arith.constant 0 : i32
        %dma_wait3A_223 = tpu.memref_slice %arg3[%dma_wait3A_222] : memref<327680xi32, #tpu.memory_space<hbm>> -> memref<128xi32, #tpu.memory_space<hbm>>
        tpu.wait_dma2 semaphore(%arg19 : memref<!tpu.dma_semaphore, #tpu.memory_space<semaphore_mem>>) src(%dma_wait3A_223 : memref<128xi32, #tpu.memory_space<hbm>>) dst(%arg8 : memref<128xi32, #tpu.memory_space<vmem>>)
        %dma_start3A_224 = arith.constant 0 : i32
        %dma_start3A_225 = arith.constant 0 : i32
        %dma_start3A_226 = tpu.memref_slice %arg2[%dma_start3A_224, %dma_start3A_225] : memref<10000x128xf32, #tpu.memory_space<hbm>> -> memref<10000x128xf32, #tpu.memory_space<hbm>>
        tpu.enqueue_indirect_dma source(%dma_start3A_226 : memref<10000x128xf32, #tpu.memory_space<hbm>>) target(%arg12 : memref<128x128xf32, #tpu.memory_space<vmem>>) offsets(%arg8 : memref<128xi32, #tpu.memory_space<vmem>>) semaphore(%arg15 : memref<!tpu.dma_semaphore, #tpu.memory_space<semaphore_mem>>)
      } else {
      }
      %dma_wait3A_195 = arith.constant 0 : i32
      %dma_wait3A_196 = arith.constant 0 : i32
      %dma_wait3A_197 = tpu.memref_slice %arg2[%dma_wait3A_195, %dma_wait3A_196] : memref<10000x128xf32, #tpu.memory_space<hbm>> -> memref<10000x128xf32, #tpu.memory_space<hbm>>
      tpu.wait_indirect_dma semaphore(%arg16 : memref<!tpu.dma_semaphore, #tpu.memory_space<semaphore_mem>>) src(%dma_wait3A_197 : memref<10000x128xf32, #tpu.memory_space<hbm>>) dst(%arg13 : memref<128x128xf32, #tpu.memory_space<vmem>>)
      %sub3A_198 = arith.constant 1 : i32
      %sub3A_199 = arith.subi %add3A_189, %sub3A_198 : i32
      %dma_start3A_200 = arith.constant 0 : i32
      %dma_start3A_201 = tpu.memref_slice %arg7[%sub3A_199, %dma_start3A_200] : memref<80x128xi32, #tpu.memory_space<vmem>> -> memref<1x128xi32, #tpu.memory_space<vmem>>
      %dma_start3A_202 = tpu.memref_squeeze %dma_start3A_201 : memref<1x128xi32, #tpu.memory_space<vmem>> -> memref<128xi32, #tpu.memory_space<vmem>>
      %dma_start3A_203 = arith.constant 0 : i32
      %dma_start3A_204 = arith.constant 0 : i32
      %dma_start3A_205 = tpu.memref_slice %arg14[%dma_start3A_203, %dma_start3A_204] : memref<10240x128xf32, #tpu.memory_space<vmem_shared>> -> memref<10240x128xf32, #tpu.memory_space<vmem_shared>>
      tpu.enqueue_indirect_dma source(%arg13 : memref<128x128xf32, #tpu.memory_space<vmem>>) target(%dma_start3A_205 : memref<10240x128xf32, #tpu.memory_space<vmem_shared>>) offsets(%dma_start3A_202 : memref<128xi32, #tpu.memory_space<vmem>>) semaphore(%arg18 : memref<!tpu.dma_semaphore, #tpu.memory_space<semaphore_mem>>) {add = true}
      %add3A_206 = arith.constant 3 : i32
      %add3A_207 = arith.addi %add3A_189, %add3A_206 : i32
      %lt3A_208 = arith.constant 80 : i32
      %lt3A_209 = arith.cmpi slt, %add3A_207, %lt3A_208 : i32
      %convert_element_type3A_210 = arith.extui %lt3A_209 : i1 to i32
      %cond3A_211 = arith.constant 0 : i32
      %cond3A_212 = arith.cmpi ne, %convert_element_type3A_210, %cond3A_211 : i32
      scf.if %cond3A_212 {
        %add3A_213 = arith.constant 3 : i32
        %add3A_214 = arith.addi %add3A_189, %add3A_213 : i32
        %mul3A_215 = arith.constant 128 : i32
        %mul3A_216 = arith.muli %add3A_214, %mul3A_215 : i32
        %add3A_217 = arith.addi %mul3A_2, %mul3A_216 : i32
        %dma_start3A_218 = tpu.memref_slice %arg3[%add3A_217] : memref<327680xi32, #tpu.memory_space<hbm>> -> memref<128xi32, #tpu.memory_space<hbm>>
        %dma_start3A_219 = tpu.memref_slice %arg3[%add3A_217] : memref<327680xi32, #tpu.memory_space<hbm>> -> memref<128xi32, #tpu.memory_space<hbm>>
        tpu.enqueue_dma source(%dma_start3A_219 : memref<128xi32, #tpu.memory_space<hbm>>) target(%arg11 : memref<128xi32, #tpu.memory_space<vmem>>) target_semaphore(%arg22 : memref<!tpu.dma_semaphore, #tpu.memory_space<semaphore_mem>>)
      } else {
      }
    }
    %scan3A_56 = arith.constant 20 : i32
    %dma_wait3A_57 = arith.constant 0 : i32
    %dma_wait3A_58 = arith.constant 0 : i32
    %dma_wait3A_59 = tpu.memref_slice %arg7[%dma_wait3A_57, %dma_wait3A_58] : memref<80x128xi32, #tpu.memory_space<vmem>> -> memref<1x128xi32, #tpu.memory_space<vmem>>
    %dma_wait3A_60 = tpu.memref_squeeze %dma_wait3A_59 : memref<1x128xi32, #tpu.memory_space<vmem>> -> memref<128xi32, #tpu.memory_space<vmem>>
    %dma_wait3A_61 = arith.constant 0 : i32
    %dma_wait3A_62 = arith.constant 0 : i32
    %dma_wait3A_63 = tpu.memref_slice %arg14[%dma_wait3A_61, %dma_wait3A_62] : memref<10240x128xf32, #tpu.memory_space<vmem_shared>> -> memref<10240x128xf32, #tpu.memory_space<vmem_shared>>
    tpu.wait_indirect_dma semaphore(%arg17 : memref<!tpu.dma_semaphore, #tpu.memory_space<semaphore_mem>>) src(%arg12 : memref<128x128xf32, #tpu.memory_space<vmem>>) dst(%dma_wait3A_63 : memref<10240x128xf32, #tpu.memory_space<vmem_shared>>)
    %dma_wait3A_64 = arith.constant 0 : i32
    %dma_wait3A_65 = arith.constant 0 : i32
    %dma_wait3A_66 = tpu.memref_slice %arg7[%dma_wait3A_64, %dma_wait3A_65] : memref<80x128xi32, #tpu.memory_space<vmem>> -> memref<1x128xi32, #tpu.memory_space<vmem>>
    %dma_wait3A_67 = tpu.memref_squeeze %dma_wait3A_66 : memref<1x128xi32, #tpu.memory_space<vmem>> -> memref<128xi32, #tpu.memory_space<vmem>>
    %dma_wait3A_68 = arith.constant 0 : i32
    %dma_wait3A_69 = arith.constant 0 : i32
    %dma_wait3A_70 = tpu.memref_slice %arg14[%dma_wait3A_68, %dma_wait3A_69] : memref<10240x128xf32, #tpu.memory_space<vmem_shared>> -> memref<10240x128xf32, #tpu.memory_space<vmem_shared>>
    tpu.wait_indirect_dma semaphore(%arg18 : memref<!tpu.dma_semaphore, #tpu.memory_space<semaphore_mem>>) src(%arg13 : memref<128x128xf32, #tpu.memory_space<vmem>>) dst(%dma_wait3A_70 : memref<10240x128xf32, #tpu.memory_space<vmem_shared>>)
    %barrier3A_71 = arith.constant 0 : index
    tpu.barrier barrier_id(%barrier3A_71)
    %mul3A_72 = arith.constant 640 : i32
    %mul3A_73 = arith.muli %arg1, %mul3A_72 : i32
    %mul3A_74 = arith.constant 10240 : i32
    %mul3A_75 = arith.muli %arg0, %mul3A_74 : i32
    %mul3A_76 = arith.constant 640 : i32
    %mul3A_77 = arith.muli %arg1, %mul3A_76 : i32
    %add3A_78 = arith.addi %mul3A_75, %mul3A_77 : i32
    "tpu.region"() ({
      %run_scoped3A = tpu.sem_alloc : memref<!tpu.dma_semaphore, #tpu.memory_space<semaphore_mem>>
      %dma_start3A_79 = arith.constant 0 : i32
      %dma_start3A_80 = tpu.memref_slice %arg6[%add3A_78, %dma_start3A_79] : memref<20480x128xf32, #tpu.memory_space<hbm>> -> memref<640x128xf32, #tpu.memory_space<hbm>>
      %dma_start3A_81 = arith.constant 0 : i32
      %dma_start3A_82 = tpu.memref_slice %arg14[%mul3A_73, %dma_start3A_81] : memref<10240x128xf32, #tpu.memory_space<vmem_shared>> -> memref<640x128xf32, #tpu.memory_space<vmem_shared>>
      tpu.enqueue_dma source(%dma_start3A_82 : memref<640x128xf32, #tpu.memory_space<vmem_shared>>) target(%dma_start3A_80 : memref<640x128xf32, #tpu.memory_space<hbm>>) target_semaphore(%run_scoped3A : memref<!tpu.dma_semaphore, #tpu.memory_space<semaphore_mem>>)
      %dma_wait3A_83 = arith.constant 0 : i32
      %dma_wait3A_84 = tpu.memref_slice %arg6[%add3A_78, %dma_wait3A_83] : memref<20480x128xf32, #tpu.memory_space<hbm>> -> memref<640x128xf32, #tpu.memory_space<hbm>>
      %dma_wait3A_85 = arith.constant 0 : i32
      %dma_wait3A_86 = tpu.memref_slice %arg14[%mul3A_73, %dma_wait3A_85] : memref<10240x128xf32, #tpu.memory_space<vmem_shared>> -> memref<640x128xf32, #tpu.memory_space<vmem_shared>>
      tpu.wait_dma2 semaphore(%run_scoped3A : memref<!tpu.dma_semaphore, #tpu.memory_space<semaphore_mem>>) src(%dma_wait3A_86 : memref<640x128xf32, #tpu.memory_space<vmem_shared>>) dst(%dma_wait3A_84 : memref<640x128xf32, #tpu.memory_space<hbm>>)
      tpu.yield
    }) : () -> ()
    return
  }
}

module attributes {stable_mosaic.version = 14 : i64} {
  func.func @_dense_body(%arg0: i32, %arg1: memref<5000x128xf32, #tpu.memory_space<vmem>>, %arg2: memref<5000x128xf32, #tpu.memory_space<vmem>>, %arg3: memref<5000x128xf32, #tpu.memory_space<vmem>>, %arg4: memref<128x128xf32, #tpu.memory_space<vmem>>, %arg5: memref<128x128xf32, #tpu.memory_space<vmem>>, %arg6: memref<1x128xf32, #tpu.memory_space<vmem>>, %arg7: memref<5000x128xf32, #tpu.memory_space<vmem>>) attributes {dimension_semantics = [#tpu.dimension_semantics<arbitrary>], iteration_bounds = array<i64: 2>, scalar_prefetch = 0 : i64, scratch_operands = 0 : i64, tpu.core_type = #tpu.core_type<tc>, window_params = [{transform_indices = @transform_0, window_bounds = array<i64: 5000, 128>}, {transform_indices = @transform_1, window_bounds = array<i64: 5000, 128>}, {transform_indices = @transform_2, window_bounds = array<i64: 5000, 128>}, {pipeline_mode = #tpu.pipeline_mode<synchronous>, transform_indices = @transform_3, window_bounds = array<i64: 128, 128>}, {pipeline_mode = #tpu.pipeline_mode<synchronous>, transform_indices = @transform_4, window_bounds = array<i64: 128, 128>}, {pipeline_mode = #tpu.pipeline_mode<synchronous>, transform_indices = @transform_5, window_bounds = array<i64: 1, 128>}, {transform_indices = @transform_6, window_bounds = array<i64: 5000, 128>}]} {
    %get3A = arith.constant 0 : index
    %get3A_0 = arith.constant 0 : index
    %get3A_1 = vector.load %arg1[%get3A, %get3A_0] : memref<5000x128xf32, #tpu.memory_space<vmem>>, vector<5000x128xf32>
    %get3A_2 = arith.constant 0 : index
    %get3A_3 = arith.constant 0 : index
    %get3A_4 = vector.load %arg4[%get3A_2, %get3A_3] : memref<128x128xf32, #tpu.memory_space<vmem>>, vector<128x128xf32>
    %dot_general3A = arith.constant dense<0.000000e+00> : vector<5000x128xf32>
    %dot_general3A_5 = tpu.matmul %get3A_1, %get3A_4, %dot_general3A {dimension_numbers = #tpu.dot_dimension_numbers<[1], [0], [0], [1], [0, 0, 1, 1], [], []>, transpose_lhs_hint = false} : vector<5000x128xf32>, vector<128x128xf32>, vector<5000x128xf32> -> vector<5000x128xf32>
    %get3A_6 = arith.constant 0 : index
    %get3A_7 = arith.constant 0 : index
    %get3A_8 = vector.load %arg2[%get3A_6, %get3A_7] : memref<5000x128xf32, #tpu.memory_space<vmem>>, vector<5000x128xf32>
    %get3A_9 = arith.constant 0 : index
    %get3A_10 = arith.constant 0 : index
    %get3A_11 = vector.load %arg3[%get3A_9, %get3A_10] : memref<5000x128xf32, #tpu.memory_space<vmem>>, vector<5000x128xf32>
    %add3A = arith.addf %get3A_8, %get3A_11 : vector<5000x128xf32>
    %get3A_12 = arith.constant 0 : index
    %get3A_13 = arith.constant 0 : index
    %get3A_14 = vector.load %arg5[%get3A_12, %get3A_13] : memref<128x128xf32, #tpu.memory_space<vmem>>, vector<128x128xf32>
    %dot_general3A_15 = arith.constant dense<0.000000e+00> : vector<5000x128xf32>
    %dot_general3A_16 = tpu.matmul %add3A, %get3A_14, %dot_general3A_15 {dimension_numbers = #tpu.dot_dimension_numbers<[1], [0], [0], [1], [0, 0, 1, 1], [], []>, transpose_lhs_hint = false} : vector<5000x128xf32>, vector<128x128xf32>, vector<5000x128xf32> -> vector<5000x128xf32>
    %add3A_17 = arith.addf %dot_general3A_5, %dot_general3A_16 : vector<5000x128xf32>
    %get3A_18 = arith.constant 0 : index
    %get3A_19 = arith.constant 0 : index
    %get3A_20 = vector.load %arg6[%get3A_18, %get3A_19] : memref<1x128xf32, #tpu.memory_space<vmem>>, vector<1x128xf32>
    %add3A_21 = vector.broadcast %get3A_20 : vector<1x128xf32> to vector<5000x128xf32>
    %add3A_22 = arith.addf %add3A_17, %add3A_21 : vector<5000x128xf32>
    %max3A = arith.constant 0.000000e+00 : f32
    %max3A_23 = vector.broadcast %max3A : f32 to vector<5000x128xf32>
    %max3A_24 = arith.maximumf %add3A_22, %max3A_23 : vector<5000x128xf32>
    %swap3A = arith.constant 0 : index
    %swap3A_25 = arith.constant 0 : index
    %swap3A_26 = vector.load %arg7[%swap3A, %swap3A_25] : memref<5000x128xf32, #tpu.memory_space<vmem>>, vector<5000x128xf32>
    tpu.vector_store %arg7[%swap3A, %swap3A_25], %max3A_24 {strides = array<i32>} : memref<5000x128xf32, #tpu.memory_space<vmem>>, vector<5000x128xf32>,
    return
  }
  func.func @transform_0(%arg0: i32) -> (i32, i32) {
    %c0_i32 = arith.constant 0 : i32
    %c0_i32_0 = arith.constant 0 : i32
    return %arg0, %c0_i32 : i32, i32
  }
  func.func @transform_1(%arg0: i32) -> (i32, i32) {
    %c0_i32 = arith.constant 0 : i32
    %c0_i32_0 = arith.constant 0 : i32
    return %arg0, %c0_i32 : i32, i32
  }
  func.func @transform_2(%arg0: i32) -> (i32, i32) {
    %c0_i32 = arith.constant 0 : i32
    %c0_i32_0 = arith.constant 0 : i32
    return %arg0, %c0_i32 : i32, i32
  }
  func.func @transform_3(%arg0: i32) -> (i32, i32) {
    %c0_i32 = arith.constant 0 : i32
    %c0_i32_0 = arith.constant 0 : i32
    %c0_i32_1 = arith.constant 0 : i32
    return %c0_i32, %c0_i32_0 : i32, i32
  }
  func.func @transform_4(%arg0: i32) -> (i32, i32) {
    %c0_i32 = arith.constant 0 : i32
    %c0_i32_0 = arith.constant 0 : i32
    %c0_i32_1 = arith.constant 0 : i32
    return %c0_i32, %c0_i32_0 : i32, i32
  }
  func.func @transform_5(%arg0: i32) -> (i32, i32) {
    %c0_i32 = arith.constant 0 : i32
    %c0_i32_0 = arith.constant 0 : i32
    %c0_i32_1 = arith.constant 0 : i32
    return %c0_i32, %c0_i32_0 : i32, i32
  }
  func.func @transform_6(%arg0: i32) -> (i32, i32) {
    %c0_i32 = arith.constant 0 : i32
    %c0_i32_0 = arith.constant 0 : i32
    return %arg0, %c0_i32 : i32, i32
  }
}

module attributes {stable_mosaic.version = 14 : i64} {
  func.func @_final_body(%arg0: i32, %arg1: memref<5000x128xf32, #tpu.memory_space<vmem>>, %arg2: memref<5000x128xf32, #tpu.memory_space<vmem>>, %arg3: memref<5000x128xf32, #tpu.memory_space<vmem>>, %arg4: memref<128x64xf32, #tpu.memory_space<vmem>>, %arg5: memref<128x64xf32, #tpu.memory_space<vmem>>, %arg6: memref<1x64xf32, #tpu.memory_space<vmem>>, %arg7: memref<5000x64xf32, #tpu.memory_space<vmem>>) attributes {dimension_semantics = [#tpu.dimension_semantics<arbitrary>], iteration_bounds = array<i64: 2>, scalar_prefetch = 0 : i64, scratch_operands = 0 : i64, tpu.core_type = #tpu.core_type<tc>, window_params = [{transform_indices = @transform_0, window_bounds = array<i64: 5000, 128>}, {transform_indices = @transform_1, window_bounds = array<i64: 5000, 128>}, {transform_indices = @transform_2, window_bounds = array<i64: 5000, 128>}, {pipeline_mode = #tpu.pipeline_mode<synchronous>, transform_indices = @transform_3, window_bounds = array<i64: 128, 64>}, {pipeline_mode = #tpu.pipeline_mode<synchronous>, transform_indices = @transform_4, window_bounds = array<i64: 128, 64>}, {pipeline_mode = #tpu.pipeline_mode<synchronous>, transform_indices = @transform_5, window_bounds = array<i64: 1, 64>}, {transform_indices = @transform_6, window_bounds = array<i64: 5000, 64>}]} {
    %get3A = arith.constant 0 : index
    %get3A_0 = arith.constant 0 : index
    %get3A_1 = vector.load %arg1[%get3A, %get3A_0] : memref<5000x128xf32, #tpu.memory_space<vmem>>, vector<5000x128xf32>
    %get3A_2 = arith.constant 0 : index
    %get3A_3 = arith.constant 0 : index
    %get3A_4 = vector.load %arg4[%get3A_2, %get3A_3] : memref<128x64xf32, #tpu.memory_space<vmem>>, vector<128x64xf32>
    %dot_general3A = arith.constant dense<0.000000e+00> : vector<5000x64xf32>
    %dot_general3A_5 = tpu.matmul %get3A_1, %get3A_4, %dot_general3A {dimension_numbers = #tpu.dot_dimension_numbers<[1], [0], [0], [1], [0, 0, 1, 1], [], []>, transpose_lhs_hint = false} : vector<5000x128xf32>, vector<128x64xf32>, vector<5000x64xf32> -> vector<5000x64xf32>
    %get3A_6 = arith.constant 0 : index
    %get3A_7 = arith.constant 0 : index
    %get3A_8 = vector.load %arg2[%get3A_6, %get3A_7] : memref<5000x128xf32, #tpu.memory_space<vmem>>, vector<5000x128xf32>
    %get3A_9 = arith.constant 0 : index
    %get3A_10 = arith.constant 0 : index
    %get3A_11 = vector.load %arg3[%get3A_9, %get3A_10] : memref<5000x128xf32, #tpu.memory_space<vmem>>, vector<5000x128xf32>
    %add3A = arith.addf %get3A_8, %get3A_11 : vector<5000x128xf32>
    %get3A_12 = arith.constant 0 : index
    %get3A_13 = arith.constant 0 : index
    %get3A_14 = vector.load %arg5[%get3A_12, %get3A_13] : memref<128x64xf32, #tpu.memory_space<vmem>>, vector<128x64xf32>
    %dot_general3A_15 = arith.constant dense<0.000000e+00> : vector<5000x64xf32>
    %dot_general3A_16 = tpu.matmul %add3A, %get3A_14, %dot_general3A_15 {dimension_numbers = #tpu.dot_dimension_numbers<[1], [0], [0], [1], [0, 0, 1, 1], [], []>, transpose_lhs_hint = false} : vector<5000x128xf32>, vector<128x64xf32>, vector<5000x64xf32> -> vector<5000x64xf32>
    %add3A_17 = arith.addf %dot_general3A_5, %dot_general3A_16 : vector<5000x64xf32>
    %get3A_18 = arith.constant 0 : index
    %get3A_19 = arith.constant 0 : index
    %get3A_20 = vector.load %arg6[%get3A_18, %get3A_19] : memref<1x64xf32, #tpu.memory_space<vmem>>, vector<1x64xf32>
    %add3A_21 = vector.broadcast %get3A_20 : vector<1x64xf32> to vector<5000x64xf32>
    %add3A_22 = arith.addf %add3A_17, %add3A_21 : vector<5000x64xf32>
    %iota3A = tpu.iota {dimensions = array<i32: 1>} : vector<5000x64xi32>
    %lt3A = arith.constant 47 : i32
    %lt3A_23 = vector.broadcast %lt3A : i32 to vector<5000x64xi32>
    %lt3A_24 = arith.cmpi slt, %iota3A, %lt3A_23 : vector<5000x64xi32>
    %jit3A = arith.constant 0xFF800000 : f32
    %broadcast_in_dim3A = vector.broadcast %jit3A : f32 to vector<5000x64xf32>
    %select_n3A = arith.select %lt3A_24, %add3A_22, %broadcast_in_dim3A : vector<5000x64xi1>, vector<5000x64xf32>
    %reduce_max3A = arith.constant dense<0xFF800000> : vector<5000xf32>
    %reduce_max3A_25 = vector.multi_reduction <maximumf>, %select_n3A, %reduce_max3A [1] : vector<5000x64xf32> to vector<5000xf32>
    %broadcast_in_dim3A_26 = vector.shape_cast %reduce_max3A_25 : vector<5000xf32> to vector<5000x1xf32>
    %sub3A = vector.broadcast %broadcast_in_dim3A_26 : vector<5000x1xf32> to vector<5000x64xf32>
    %sub3A_27 = arith.subf %select_n3A, %sub3A : vector<5000x64xf32>
    %exp3A = math.exp %sub3A_27 : vector<5000x64xf32>
    %reduce_sum3A = arith.constant dense<0.000000e+00> : vector<5000xf32>
    %reduce_sum3A_28 = vector.multi_reduction <add>, %exp3A, %reduce_sum3A [1] : vector<5000x64xf32> to vector<5000xf32>
    %broadcast_in_dim3A_29 = vector.shape_cast %reduce_sum3A_28 : vector<5000xf32> to vector<5000x1xf32>
    %log3A = math.log %broadcast_in_dim3A_29 : vector<5000x1xf32>
    %sub3A_30 = vector.broadcast %broadcast_in_dim3A_26 : vector<5000x1xf32> to vector<5000x64xf32>
    %sub3A_31 = arith.subf %select_n3A, %sub3A_30 : vector<5000x64xf32>
    %sub3A_32 = vector.broadcast %log3A : vector<5000x1xf32> to vector<5000x64xf32>
    %sub3A_33 = arith.subf %sub3A_31, %sub3A_32 : vector<5000x64xf32>
    %swap3A = arith.constant 0 : index
    %swap3A_34 = arith.constant 0 : index
    %swap3A_35 = vector.load %arg7[%swap3A, %swap3A_34] : memref<5000x64xf32, #tpu.memory_space<vmem>>, vector<5000x64xf32>
    tpu.vector_store %arg7[%swap3A, %swap3A_34], %sub3A_33 {strides = array<i32>} : memref<5000x64xf32, #tpu.memory_space<vmem>>, vector<5000x64xf32>,
    return
  }
  func.func @transform_0(%arg0: i32) -> (i32, i32) {
    %c0_i32 = arith.constant 0 : i32
    %c0_i32_0 = arith.constant 0 : i32
    return %arg0, %c0_i32 : i32, i32
  }
  func.func @transform_1(%arg0: i32) -> (i32, i32) {
    %c0_i32 = arith.constant 0 : i32
    %c0_i32_0 = arith.constant 0 : i32
    return %arg0, %c0_i32 : i32, i32
  }
  func.func @transform_2(%arg0: i32) -> (i32, i32) {
    %c0_i32 = arith.constant 0 : i32
    %c0_i32_0 = arith.constant 0 : i32
    return %arg0, %c0_i32 : i32, i32
  }
  func.func @transform_3(%arg0: i32) -> (i32, i32) {
    %c0_i32 = arith.constant 0 : i32
    %c0_i32_0 = arith.constant 0 : i32
    %c0_i32_1 = arith.constant 0 : i32
    return %c0_i32, %c0_i32_0 : i32, i32
  }
  func.func @transform_4(%arg0: i32) -> (i32, i32) {
    %c0_i32 = arith.constant 0 : i32
    %c0_i32_0 = arith.constant 0 : i32
    %c0_i32_1 = arith.constant 0 : i32
    return %c0_i32, %c0_i32_0 : i32, i32
  }
  func.func @transform_5(%arg0: i32) -> (i32, i32) {
    %c0_i32 = arith.constant 0 : i32
    %c0_i32_0 = arith.constant 0 : i32
    %c0_i32_1 = arith.constant 0 : i32
    return %c0_i32, %c0_i32_0 : i32, i32
  }
  func.func @transform_6(%arg0: i32) -> (i32, i32) {
    %c0_i32 = arith.constant 0 : i32
    %c0_i32_0 = arith.constant 0 : i32
    return %arg0, %c0_i32 : i32, i32
  }
}

</mosaic_0001>

<sc_bundles>
// kernel: kernel.11.cloned.1.call-start
scs
__scs_entry_jumppad:
0x0: {  	(pc) =	sbr.rel $0x88, $3  }
0x1: {  	(tag) =	ssettag $0x0;
	lr =	simm.s32 $0x1  }
0x2: {  	[smem:$0x3F99] =	sst lr;
	_ =	strace $0xD0000000  }
0x3: {  	_ = 	snop  }
0x4: {  	_ = 	snop  }
0x5: {  	_ = 	snop  }
0x6: {  	_ = 	snop  }
0x7: {  	_ = 	snop  }
__scs_overlays_trampoline_lowered:
0x8: {  	[smem:$0x3FA8] =	sst s0  }
0x9: {  	[smem:$0x3FA9] =	sst s1  }
0xa: {  	[smem:$0x3FAA] =	sst s2  }
0xb: {  	[smem:$0x3FAB] =	sst s3  }
0xc: {  	[smem:$0x3FAC] =	sst s4  }
0xd: {  	[smem:$0x3FAD] =	sst s5  }
0xe: {  	[smem:$0x3FAE] =	sst s6  }
0xf: {  	[smem:$0x3FAF] =	sst s7  }
0x10: {  	[smem:$0x3FB0] =	sst s8  }
0x11: {  	[smem:$0x3FB1] =	sst s9;
	s0 =	simm.s32 @!p0 $0x0  }
0x12: {  	s1 =	sld [smem:$0x3F97];
	s0 =	simm.s32 @p0 $0x1  }
0x13: {  	[smem:$0x3FB2] =	sst s0;
	s0 =	simm.s32 @!p1 $0x0  }
0x14: {  	s2 =	sld [smem:$0x3F96];
	s0 =	simm.s32 @p1 $0x1  }
0x15: {  	[smem:$0x3FB3] =	sst s0;
	s0 =	simm.s32 @!p2 $0x0  }
0x16: {  	s3 =	sld [smem:$0x3FDB];
	s0 =	simm.s32 @p2 $0x1  }
0x17: {  	s4 =	simm.s32 $0x1BF5;
	[smem:$0x3FB5] =	sst s0  }
0x18: {  	s0 =	sld [smem:$0x3F98];
	_ =	swait.ge [sflag:s4], $0x0  }
0x19: {  	s7 =	sld [smem:$0x3F99]  }
0x1a: {  	s8 =	sadd.s32 $0xFFFFE003, lr  }
0x1b: {  	s9 =	sadd.s32 $0xFFFFFEF7, lr;
	s5 =	simm.s32 $0xFFFFFFFF;
	p2 =	slt.u32 s8, $0xFFFFF086  }
0x1c: {  	p1 =	slt.u32 s9, $0xF7A;
	s5 =	simm.s32 @!p2 $0x0  }
0x1d: {  	s5 =	simm.s32 @p1 $0x1;
	p0 =	seq.s32 s7, s2  }
0x1e: {  	s7 =	smul.u32 @!p0 $0xF7A, s2;
	p2 =	seq.s32 @!p0 s5, $0x0  }
0x1f: {  	s9 =	smul.u32 $0xF7A, s1;
	s8 =	simm.s32 @!p0 $0x1BF5;
	p2 =	por !p2, p0  }
0x20: {  	[sflag:s8] =	ssyncset.s32 @!p0 $0xFFFFF086;
	s6 =	sadd.s32 @!p0 s3, s7;
	s7 =	simm.s32 @!p0 $0x108  }
0x21: {  	s3 =	sadd.s32 s3, s9;
	s6 =	sadd.s32 @!p0 $0x88, s6;
	s7 =	simm.s32 @p2 $0x1082  }
0x22: {  	[simem:s7], [sflag:s8] =	dma.local @!p0 [hbm:s6], $0xF7A  }
0x23: {  	s9 =	sor.u32 $0xD0000000, s2;
	s6 =	simm.s32 $0x108;
	_ =	swait.ge @!p0 [sflag:s8], $0x0  }
0x24: {  	s3 =	sadd.s32 $0x88, s3;
	s6 =	simm.s32 @!p1 $0x1082;
	[sflag:s4] =	ssyncset.s32 $0xFFFFF086  }
0x25: {  	[simem:s6], [sflag:s4] =	dma.local [hbm:s3], $0xF7A  }
0x26: {  	[smem:$0x3F99] =	sst s1;
	(tag) =	ssettag s2;
	_ =	strace s9  }
0x27: {  	s1 =	sld [smem:$0x3FA9]  }
0x28: {  	s2 =	sld [smem:$0x3FAA]  }
0x29: {  	s4 =	sld [smem:$0x3FAC]  }
0x2a: {  	p0 =	seq.s32 s5, $0x0;
	s5 =	sld [smem:$0x3FAD]  }
0x2b: {  	s6 =	sld [smem:$0x3FAE]  }
0x2c: {  	s7 =	sld [smem:$0x3FAF]  }
0x2d: {  	s3 =	simm.s32 $0x108;
	s8 =	sld [smem:$0x3FB0]  }
0x2e: {  	s3 =	simm.s32 @!p0 $0x1082;
	s9 =	sld [smem:$0x3FB1]  }
0x2f: {  	lr =	sadd.s32 s0, s3;
	s0 =	sld [smem:$0x3FA8]  }
0x30: {  	s3 =	sld [smem:$0x3FAB]  }
0x31: {  	[smem:$0x3FB4] =	sst s10  }
0x32: {  	s10 =	sld [smem:$0x3FB2];
	_ =	sdelay $0x3  }
0x33: {  	p0 =	seq.s32 s10, $0x1;
	s10 =	sld [smem:$0x3FB4];
	_ =	sdelay $0x3  }
0x34: {  	[smem:$0x3FB4] =	sst s10  }
0x35: {  	s10 =	sld [smem:$0x3FB3];
	_ =	sdelay $0x3  }
0x36: {  	p1 =	seq.s32 s10, $0x1;
	s10 =	sld [smem:$0x3FB4];
	_ =	sdelay $0x3  }
0x37: {  	[smem:$0x3FB4] =	sst s10  }
0x38: {  	s10 =	sld [smem:$0x3FB5]  }
0x39: {  	_ = 	snop;
	(pc) =	sbr.ind lr, $3  }
0x3a: {  	_ = 	snop  }
0x3b: {  	_ = 	snop  }
0x3c: {  	p2 =	seq.s32 s10, $0x1;
	s10 =	sld [smem:$0x3FB4]  }
0x3d: {  	_ =	shalt  }
0x3e: {  	_ =	shalt  }
0x3f: {  	_ =	shalt  }
0x40: {  	_ =	shalt  }
0x41: {  	_ =	shalt  }
0x42: {  	_ =	shalt  }
0x43: {  	_ =	shalt  }
0x44: {  	_ =	shalt  }
0x45: {  	_ =	shalt  }
0x46: {  	_ =	shalt  }
0x47: {  	_ =	shalt  }
0x48: {  	_ =	shalt  }
0x49: {  	_ =	shalt  }
0x4a: {  	_ =	shalt  }
0x4b: {  	_ =	shalt  }
0x4c: {  	_ =	shalt  }
0x4d: {  	_ =	shalt  }
0x4e: {  	_ =	shalt  }
0x4f: {  	_ =	shalt  }
0x50: {  	_ =	shalt  }
0x51: {  	_ =	shalt  }
0x52: {  	_ =	shalt  }
0x53: {  	_ =	shalt  }
0x54: {  	_ =	shalt  }
0x55: {  	_ =	shalt  }
0x56: {  	_ =	shalt  }
0x57: {  	_ =	shalt  }
0x58: {  	_ =	shalt  }
0x59: {  	_ =	shalt  }
0x5a: {  	_ =	shalt  }
0x5b: {  	_ =	shalt  }
0x5c: {  	_ =	shalt  }
0x5d: {  	_ =	shalt  }
0x5e: {  	_ =	shalt  }
0x5f: {  	_ =	shalt  }
0x60: {  	_ =	shalt  }
0x61: {  	_ =	shalt  }
0x62: {  	_ =	shalt  }
0x63: {  	_ =	shalt  }
0x64: {  	_ =	shalt  }
0x65: {  	_ =	shalt  }
0x66: {  	_ =	shalt  }
0x67: {  	_ =	shalt  }
0x68: {  	_ =	shalt  }
0x69: {  	_ =	shalt  }
0x6a: {  	_ =	shalt  }
0x6b: {  	_ =	shalt  }
0x6c: {  	_ =	shalt  }
0x6d: {  	_ =	shalt  }
0x6e: {  	_ =	shalt  }
0x6f: {  	_ =	shalt  }
0x70: {  	_ =	shalt  }
0x71: {  	_ =	shalt  }
0x72: {  	_ =	shalt  }
0x73: {  	_ =	shalt  }
0x74: {  	_ =	shalt  }
0x75: {  	_ =	shalt  }
0x76: {  	_ =	shalt  }
0x77: {  	_ =	shalt  }
0x78: {  	_ =	shalt  }
0x79: {  	_ =	shalt  }
0x7a: {  	_ =	shalt  }
0x7b: {  	_ =	shalt  }
0x7c: {  	_ =	shalt  }
0x7d: {  	_ =	shalt  }
0x7e: {  	_ =	shalt  }
0x7f: {  	_ =	shalt  }
0x80: {  	_ =	shalt  }
0x81: {  	_ =	shalt  }
0x82: {  	_ =	shalt  }
0x83: {  	_ =	shalt  }
0x84: {  	_ =	shalt  }
0x85: {  	_ =	shalt  }
0x86: {  	_ =	shalt  }
0x87: {  	_ =	shalt  }
.Lfunc_end0:
.L_simem_size_0:
called_computation.1_lowered:
.L_overlay_start_0:
0x88: {  	s2 =	sld [smem:$0x3FD9]  }
0x89: {  	s3 =	sld [smem:$0x3FFE];
	_ =	sdelay $0x1  }
0x8a: {  	s1 =	srdreg.scid  }
0x8b: {  	s0 =	sand.u32 $0x1, s1  }
0x8c: {  	s17 =	sshll.u32 s0, $0xA;
	s2 =	sadd.s32 s3, s2  }
0x8d: {  	s2 =	sadd.s32 s2, s17  }
0x8e: {  	[smem:$0x3FC0] =	sst s2  }
0x8f: {  	_ = 	snop  }
0x90: {  	s2 =	sld [smem:$0x3FD0];
	(tm) =	ssettm $0x1  }
0x91: {  	s18 =	sld [smem:$0x3FFB];
	_ =	sdelay $0x3  }
0x92: {  	_ =	strace s18  }
0x93: {  	s3 =	sld [smem:$0x3FFC];
	_ =	sdelay $0x3  }
0x94: {  	_ =	strace s3  }
0x95: {  	s3 =	sld [smem:$0x3FFD];
	_ =	sdelay $0x3  }
0x96: {  	_ =	strace s3  }
0x97: {  	_ =	strace $0x8FFFFFFF  }
0x98: {  	s19 =	sld [smem:$0x3FDB];
	_ =	sdelay $0x1  }
0x99: {  	s4 =	simm.s32 $_scs_section_size  }
0x9a: {  	s5 =	simm.s32 $_size__tile_overlayer_lowered;
	s6 =	simm.s32 $_tile_overlayer_lowered  }
0x9b: {  	s22 =	simm.s32 $0x1BFF;
	s21 =	sshll.u32 s6, $0x1;
	s3 =	sadd.s32 s4, s19  }
0x9c: {  	s7 =	simm.s32 $0x0;
	s20 =	sshll.u32 s5, $0x1;
	s5 =	sadd.s32 s21, s3  }
0x9d: {  	[timem:s7], [sflag:s22] =	dma.local [hbm:s5], s20  }
0x9e: {  	_ =	swait.ge [sflag:s22], s20  }
0x9f: {  	s4 =	ssub.s32 $0x0, s20;
	[sflag:s22] =	ssyncset.done $0x0  }
0xa0: {  	[sflag:s22] =	ssyncadd.s32 s4;
	_ =	sdelay $0x1  }
0xa1: {  	s23 =	simm.s32 $0x1B8B  }
0xa2: {  	_ =	swait.ge [sflag:s23], $0x1  }
0xa3: {  	[sflag:s23] =	ssyncset.done $0x0  }
0xa4: {  	s25 =	simm.s32 $0x1B8E;
	s24 =	sld [smem:$0x3FFE];
	[sflag:s23] =	ssyncadd.s32 $0xFFFFFFFF  }
0xa5: {  	s26 =	simm.s32 $execute0_lowered;
	[smem:$0x3FD2] =	sst s25  }
0xa6: {  	s5 =	sshll.u32 s26, $0x1;
	_ =	strace $0x80000049;
	[dreg:$0x1] =	wrdreg $0xFFFFFFFF  }
0xa7: {  	s28 =	simm.s32 $_size_execute0_lowered;
	s3 =	sadd.s32 s3, s5;
	[dreg:$0x0] =	wrdreg $0x0  }
0xa8: {  	s5 =	sshll.u32 s28, $0x1;
	[dreg:$0x2] =	wrdreg s3  }
0xa9: {  	[dreg:$0x3] =	wrdreg s5  }
0xaa: {  	[dreg:$0x4] =	wrdreg $0xC0  }
0xab: {  	_ =	task [dreg:s7], $0x5FFFF  }
0xac: {  	[dreg:$0x1] =	wrdreg $0xFFFFFFFF  }
0xad: {  	[dreg:$0x0] =	wrdreg $0x60  }
0xae: {  	[dreg:$0x2] =	wrdreg s24  }
0xaf: {  	[dreg:$0x3] =	wrdreg s2  }
0xb0: {  	[dreg:$0x4] =	wrdreg $0xAA000  }
0xb1: {  	[dreg:$0x5] =	wrdreg $0x9  }
0xb2: {  	_ =	task.clear_ibuf [dreg:s7], $0x6FFFF;
	_ =	strace $0x90000049  }
0xb3: {  	s29 =	simm.s32 $0x9;
	_ =	strace $0x8000004B  }
0xb4: {  	_ =	swait.ge [sflag:s29], $0x1  }
0xb5: {  	[sflag:s29] =	ssyncadd.s32 $0xFFFFFFFF  }
0xb6: {  	_ =	strace $0x9000004B  }
0xb7: {  	_ =	sfence  }
0xb8: {  	s30 =	sld [smem:$0x0];
	_ =	sdelay $0x2  }
0xb9: {  	s31 =	sshll.u32 s1, $0xD;
	s1 =	sshrl.u32 s1, $0x2  }
0xba: {  	s3 =	sand.u32 $0x4000, s31;
	s1 =	sadd.s32 s1, s30  }
0xbb: {  	s0 =	sor.u32 s3, s0;
	s1 =	sshll.u32 s1, $0x11  }
0xbc: {  	s0 =	sor.u32 s1, s0  }
0xbd: {  	s0 =	sadd.s32 $0x8F2B, s0  }
0xbe: {  	[sflag:s0] =	ssyncadd.remote.s32 $0x1  }
0xbf: {  	_ =	sfence.sel $0xFFFF  }
0xc0: {  	[dreg:$0x0] =	wrdreg $0xFFFFFFFF;
	(pc) =	sbr.abs _section_cstart, $3  }
0xc1: {  	[dreg:$0x1] =	wrdreg $0xFFFFFFFF  }
0xc2: {  	_ =	task.clear_ibuf [dreg:s7], $0x2FFFF;
	_ =	strace $0x9FFFFFFF  }
0xc3: {  	(tm) =	ssettm $0x7FFFFFFF  }
tec
execute0_lowered:
.L_overlay_start_1:
0x0: {  	(tag) =	ssettag $0x1  }
0x1: {  	s0 =	rddreg [dreg:$0x0];
	s1 =	srdreg.scid  }
0x2: {  	s15 =	stileid.u32;
	s5 =	rddreg [dreg:$0x1]  }
0x3: {  	s2 =	rddreg [dreg:$0x2];
	s28 =	simm.s32 $0x80;
	s6 =	smul.u32 $0x280, s15  }
0x4: {  	s29 =	simm.s32 $0x2A00;
	s30 =	simm.s32 $0x2980;
	s12 =	smul.u32 $0x50000, s15  }
0x5: {  	s31 =	simm.s32 $0x3;
	s1 =	sand.u32 $0x1, s1;
	s14 =	smul.u32 $0x2800, s15  }
0x6: {  	s3 =	sshll.u32 s15, $0x1;
	s11 =	sadd.s32 $0xDA00, s0;
	s25 =	smul.u32 $0x5000, s15  }
0x7: {  	s4 =	sor.u32 s1, s3;
	s3 =	simm.s32 $0x0;
	s9 =	smul.u32 $0x2800, s1  }
0x8: {  	s1 =	ssub.s32 $0x2, s1;
	s4 =	smul.u32 $0x2800, s4;
	[smem:$0x7FF] =	sst s3  }
0x9: {  	s13 =	sshrl.u32 s1, $0x1;
	s22 =	sshrl.u32 s12, $0x2;
	s23 =	sadd.s32 s11, s14  }
0xa: {  	_ =	strace $0x8000004A;
	s7 =	sadd.s32 s6, s9;
	s1 =	ssub.s32 s1, s13  }
0xb: {  	[dreg:$0x5] =	wrdreg s23;
	s6 =	sadd.s32 $0x140, s6;
	s16 =	sadd.s32 s9, s25  }
0xc: {  	s9 =	simm.s32 $0x2;
	s8 =	sshrl.u32 s4, $0x3;
	s4 =	sadd.s32 $0x35A00, s0  }
0xd: {  	s7 =	sshll.u32 s7, $0x4;
	s24 =	sshll.u32 s6, $0x7;
	s6 =	sshll.u32 s6, $0x4  }
0xe: {  	s18 =	sor.u32 $0x380, s16;
	s21 =	smax.u32 s1, $0x1;
	s23 =	sor.u32 $0x300, s16  }
0xf: {  	s10 =	sadd.s32 s8, s0;
	s0 =	sadd.s32 s7, s0;
	s7 =	sadd.s32 s22, s2  }
0x10: {  	s12 =	sadd.s32 s24, s2;
	s6 =	sadd.s32 s11, s6;
	[dreg:$0xe] =	wrdreg s21  }
0x11: {  	s24 =	sor.u32 $0x280, s16;
	s11 =	simm.s32 $0x8;
	[dreg:$0x4] =	wrdreg s7  }
0x12: {  	s7 =	sshll.u32 s15, $0x6;
	[dreg:$0x7] =	wrdreg s6;
	s19 =	sadd.s32 $0x3A00, s10  }
0x13: {  	s15 =	sadd.s32 s5, s8;
	s0 =	sadd.s32 $0x5CC00, s0;
	[dreg:$0xb] =	wrdreg s19  }
0x14: {  	s6 =	sor.u32 $0x200, s16;
	s1 =	sshrl.u32 s24, $0x3;
	[dreg:$0x8] =	wrdreg s15  }
0x15: {  	s24 =	simm.s32 $0x2900;
	s26 =	sor.u32 $0x1C03, s7;
	[dreg:$0xd] =	wrdreg s0  }
0x16: {  	s8 =	sadd.s32 $0x10, s15;
	s17 =	sadd.s32 $0x20, s15;
	[dreg:$0x6] =	wrdreg s26  }
0x17: {  	s20 =	sadd.s32 $0x30, s15;
	s0 =	sshrl.u32 s23, $0x3;
	[dreg:$0x9] =	wrdreg s8  }
0x18: {  	s6 =	sshrl.u32 s6, $0x3;
	s25 =	sadd.s32 s1, s5;
	[dreg:$0xa] =	wrdreg s17  }
0x19: {  	s23 =	simm.s32 $0x2880;
	s1 =	simm.s32 $0x4;
	[dreg:$0xc] =	wrdreg s20  }
0x1a: {  	s8 =	sshrl.u32 s18, $0x3;
	s0 =	sadd.s32 s0, s5;
	[dreg:$0x11] =	wrdreg s25  }
.Ltmp0:
0x1b: {  	s14 =	sadd.s32 s6, s5;
	s26 =	sshrl.u32 s12, $0x3;
	(pc) =	sbr.rel .LBB2_1-.Ltmp0, $4  }
0x1c: {  	s25 =	simm.s32 $0x9;
	s6 =	simm.s32 $0x1;
	[dreg:$0x10] =	wrdreg s0  }
0x1d: {  	s12 =	simm.s32 $0x0;
	s22 =	sadd.s32 s8, s5;
	[dreg:$0x12] =	wrdreg s26  }
0x1e: {  	s26 =	simm.s32 $0x5;
	s0 =	simm.s32 $0x6;
	s5 =	simm.s32 $0x6A00  }
0x1f: {  	s8 =	simm.s32 $0x7;
	[dreg:$0xf] =	wrdreg s22;
	s22 =	simm.s32 $0x2800  }
.LBB2_4:
0x20: {  	_ =	swait.ge [sflag:s9], $0x4000  }
0x21: {  	[sflag:s9] =	ssyncset.done $0x0  }
0x22: {  	[sflag:s9] =	ssyncadd.s32 $0xFFFFC000  }
0x23: {  	[spmem:s2] =	stream.indirect.scatter.add.f32 [tilespmem:s5], [sflag:$0x4], $0x80, s16, s28, $0xb8;
	[tilespmem:$0x1EA00] =	vst v63  }
0x24: {  	_ =	swait.ge [sflag:s31], $0x4000  }
0x25: {  	[sflag:s31] =	ssyncset.done $0x0  }
0x26: {  	[sflag:s31] =	ssyncadd.s32 $0xFFFFC000  }
0x27: {  	_ =	swait.ge [sflag:s1], $0x4000  }
0x28: {  	[sflag:s1] =	ssyncset.done $0x0  }
0x29: {  	[sflag:s1] =	ssyncadd.s32 $0xFFFFC000  }
0x2a: {  	[bflag:$0x0] =	sbarrier.arrive $0xFFFF  }
0x2b: {  	s10 =	sor.u32 $0x1C09, s7;
	s15 =	rddreg [dreg:$0xd]  }
0x2c: {  	[hbm:s15], [sflag:s10] =	dma.local [spmem:s13], $0x2800  }
0x2d: {  	_ =	swait.ge [sflag:s25], $0x2800  }
0x2e: {  	s12 =	sadd.s32 $0x1, s12;
	s21 =	rddreg [dreg:$0xe]  }
0x2f: {  	p0 =	sne.s32 s12, s21  }
.Ltmp1:
0x30: {  	_ = 	snop;
	(pc) =	sbr.rel @!p0 .LBB2_5-.Ltmp1, $3  }
0x31: {  	_ =	sdelay $0x1  }
0x32: {  	[sflag:s25] =	ssyncset.done $0x0  }
0x33: {  	[sflag:s25] =	ssyncadd.s32 $0xFFFFD800  }
.LBB2_1:
0x34: {  	s10 =	rddreg [dreg:$0x4]  }
0x35: {  	s16 =	rddreg [dreg:$0x5]  }
0x36: {  	s15 =	rddreg [dreg:$0x6];
	s13 =	sshrl.u32 s10, $0x3  }
0x37: {  	[spmem:s13], [sflag:s15] =	dma.local [hbm:s16], $0x1400  }
0x38: {  	s15 =	rddreg [dreg:$0x7]  }
0x39: {  	s17 =	sor.u32 $0x1C04, s7;
	s16 =	rddreg [dreg:$0x12]  }
0x3a: {  	[spmem:s16], [sflag:s17] =	dma.local [hbm:s15], $0x1400  }
0x3b: {  	s10 =	rddreg [dreg:$0x8]  }
0x3c: {  	[tilespmem:s22], [sflag:$0x5] =	stream.linear.gather [hbm4b:s10+s3], $0x80, $0x38;
	[tilespmem:$0x1EA00] =	vst v63  }
0x3d: {  	s18 =	rddreg [dreg:$0x9]  }
0x3e: {  	[tilespmem:s23], [sflag:$0x6] =	stream.linear.gather [hbm4b:s18+s3], $0x80, $0x38;
	[tilespmem:$0x1EA00] =	vst v63  }
0x3f: {  	s19 =	rddreg [dreg:$0xa]  }
0x40: {  	[tilespmem:s24], [sflag:$0x7] =	stream.linear.gather [hbm4b:s19+s3], $0x80, $0x38;
	[tilespmem:$0x1EA00] =	vst v63  }
0x41: {  	s20 =	rddreg [dreg:$0xb]  }
0x42: {  	[tilespmem:s3], [sflag:$0x9] =	stream.linear.gather [hbm4b:s20+s3], $0x2800, $0x38;
	[tilespmem:$0x1EA00] =	vst v63  }
0x43: {  	_ =	swait.ge [sflag:s25], $0x2800  }
0x44: {  	[sflag:s25] =	ssyncset.done $0x0  }
0x45: {  	[sflag:s25] =	ssyncadd.s32 $0xFFFFD800  }
0x46: {  	_ =	swait.ge [sflag:s26], $0x80  }
0x47: {  	[sflag:s26] =	ssyncset.done $0x0  }
0x48: {  	[sflag:s26] =	ssyncadd.s32 $0xFFFFFF80  }
0x49: {  	[tilespmem:s29], [sflag:$0x1] =	stream.indirect.gather [hbm4b:s4+s28], $0x80, s22, s28, $0xb8;
	[tilespmem:$0x1EA00] =	vst v63  }
0x4a: {  	s21 =	rddreg [dreg:$0xc]  }
0x4b: {  	[tilespmem:s30], [sflag:$0x8] =	stream.linear.gather [hbm4b:s21+s3], $0x80, $0x38;
	[tilespmem:$0x1EA00] =	vst v63  }
0x4c: {  	_ =	swait.ge [sflag:s31], $0x1400  }
0x4d: {  	[sflag:s31] =	ssyncset.done $0x0  }
0x4e: {  	[sflag:s31] =	ssyncadd.s32 $0xFFFFEC00  }
0x4f: {  	_ =	swait.ge [sflag:s1], $0x1400  }
0x50: {  	[sflag:s1] =	ssyncset.done $0x0  }
0x51: {  	[sflag:s1] =	ssyncadd.s32 $0xFFFFEC00  }
0x52: {  	[bflag:$0x0] =	sbarrier.arrive $0xFFFF  }
0x53: {  	s19 =	rddreg [dreg:$0x11]  }
0x54: {  	s18 =	rddreg [dreg:$0x10]  }
0x55: {  	s10 =	simm.s32 $0x0;
	s20 =	smov.u32 s14;
	s17 =	rddreg [dreg:$0xf]  }
.LBB2_2:
0x56: {  	p0 =	seq.s32 s10, $0x0  }
0x57: {  	s16 =	simm.s32 @!p0 $0x4  }
0x58: {  	_ =	swait.ge @!p0 [sflag:s16], $0x4000  }
0x59: {  	[sflag:s16] =	ssyncset.done @!p0 $0x0  }
0x5a: {  	[sflag:s16] =	ssyncadd.s32 @!p0 $0xFFFFC000  }
0x5b: {  	_ =	swait.ge [sflag:s0], $0x80  }
0x5c: {  	[sflag:s0] =	ssyncset.done $0x0  }
0x5d: {  	[sflag:s0] =	ssyncadd.s32 $0xFFFFFF80  }
0x5e: {  	[tilespmem:s5], [sflag:$0x2] =	stream.indirect.gather [hbm4b:s4+s28], $0x80, s23, s28, $0xb8;
	[tilespmem:$0x1EA00] =	vst v63  }
0x5f: {  	_ =	swait.ge [sflag:s6], $0x4000  }
0x60: {  	[sflag:s6] =	ssyncset.done $0x0  }
0x61: {  	s16 =	sshra.s32 s10, $0x2;
	p0 =	seq.s32 s10, $0x9800;
	[sflag:s6] =	ssyncadd.s32 $0xFFFFC000  }
0x62: {  	[spmem:s2] =	stream.indirect.scatter.add.f32 [tilespmem:s29], [sflag:$0x3], $0x80, s16, s28, $0xb8;
	[tilespmem:$0x1EA00] =	vst v63  }
0x63: {  	s15 =	simm.s32 @!p0 $0x0;
	s21 =	simm.s32 @!p0 $0x2800  }
0x64: {  	[tilespmem:s21], [sflag:$0x5] =	stream.linear.gather @!p0 [hbm4b:s20+s15], $0x80, $0x38;
	[tilespmem:$0x1EA00] =	vst v63  }
0x65: {  	_ =	swait.ge [sflag:s31], $0x4000  }
0x66: {  	[sflag:s31] =	ssyncset.done $0x0  }
0x67: {  	[sflag:s31] =	ssyncadd.s32 $0xFFFFC000  }
0x68: {  	_ =	swait.ge [sflag:s8], $0x80  }
0x69: {  	[sflag:s8] =	ssyncset.done $0x0  }
0x6a: {  	[sflag:s8] =	ssyncadd.s32 $0xFFFFFF80  }
0x6b: {  	[tilespmem:s29], [sflag:$0x1] =	stream.indirect.gather [hbm4b:s4+s28], $0x80, s24, s28, $0xb8;
	[tilespmem:$0x1EA00] =	vst v63  }
0x6c: {  	_ =	swait.ge [sflag:s9], $0x4000  }
0x6d: {  	[sflag:s9] =	ssyncset.done $0x0  }
0x6e: {  	s21 =	sadd.s32 $0x80, s16;
	[sflag:s9] =	ssyncadd.s32 $0xFFFFC000  }
0x6f: {  	[spmem:s2] =	stream.indirect.scatter.add.f32 [tilespmem:s5], [sflag:$0x4], $0x80, s21, s28, $0xb8;
	[tilespmem:$0x1EA00] =	vst v63  }
0x70: {  	s21 =	simm.s32 @!p0 $0x2880  }
0x71: {  	[tilespmem:s21], [sflag:$0x6] =	stream.linear.gather @!p0 [hbm4b:s19+s15], $0x80, $0x38;
	[tilespmem:$0x1EA00] =	vst v63  }
0x72: {  	_ =	swait.ge [sflag:s1], $0x4000  }
0x73: {  	[sflag:s1] =	ssyncset.done $0x0  }
0x74: {  	[sflag:s1] =	ssyncadd.s32 $0xFFFFC000  }
0x75: {  	_ =	swait.ge [sflag:s11], $0x80  }
0x76: {  	[sflag:s11] =	ssyncset.done $0x0  }
0x77: {  	[sflag:s11] =	ssyncadd.s32 $0xFFFFFF80  }
0x78: {  	[tilespmem:s5], [sflag:$0x2] =	stream.indirect.gather [hbm4b:s4+s28], $0x80, s30, s28, $0xb8;
	[tilespmem:$0x1EA00] =	vst v63  }
.Ltmp2:
0x79: {  	_ = 	snop;
	(pc) =	sbr.rel @p0 .LBB2_4-.Ltmp2, $4  }
0x7a: {  	_ =	swait.ge [sflag:s6], $0x4000  }
0x7b: {  	[sflag:s6] =	ssyncset.done $0x0  }
0x7c: {  	s21 =	sadd.s32 $0x100, s16;
	s16 =	sadd.s32 $0x180, s16;
	[sflag:s6] =	ssyncadd.s32 $0xFFFFC000  }
0x7d: {  	[spmem:s2] =	stream.indirect.scatter.add.f32 [tilespmem:s29], [sflag:$0x3], $0x80, s21, s28, $0xb8;
	[tilespmem:$0x1EA00] =	vst v63  }
0x7e: {  	[tilespmem:s24], [sflag:$0x7] =	stream.linear.gather [hbm4b:s18+s3], $0x80, $0x38;
	[tilespmem:$0x1EA00] =	vst v63  }
0x7f: {  	_ =	swait.ge [sflag:s31], $0x4000  }
0x80: {  	[sflag:s31] =	ssyncset.done $0x0  }
0x81: {  	[sflag:s31] =	ssyncadd.s32 $0xFFFFC000  }
0x82: {  	_ =	swait.ge [sflag:s26], $0x80  }
0x83: {  	[sflag:s26] =	ssyncset.done $0x0  }
0x84: {  	[sflag:s26] =	ssyncadd.s32 $0xFFFFFF80  }
0x85: {  	[tilespmem:s29], [sflag:$0x1] =	stream.indirect.gather [hbm4b:s4+s28], $0x80, s22, s28, $0xb8;
	[tilespmem:$0x1EA00] =	vst v63  }
0x86: {  	_ =	swait.ge [sflag:s9], $0x4000  }
0x87: {  	[sflag:s9] =	ssyncset.done $0x0  }
.Ltmp3:
0x88: {  	[sflag:s9] =	ssyncadd.s32 $0xFFFFC000;
	(pc) =	sbr.rel .LBB2_2-.Ltmp3, $4  }
0x89: {  	[spmem:s2] =	stream.indirect.scatter.add.f32 [tilespmem:s5], [sflag:$0x4], $0x80, s16, s28, $0xb8;
	[tilespmem:$0x1EA00] =	vst v63  }
0x8a: {  	s10 =	sadd.s32 $0x800, s10;
	s18 =	sadd.s32 $0x40, s18  }
0x8b: {  	[tilespmem:s30], [sflag:$0x8] =	stream.linear.gather [hbm4b:s17+s3], $0x80, $0x38;
	[tilespmem:$0x1EA00] =	vst v63  }
0x8c: {  	s19 =	sadd.s32 $0x40, s19;
	s20 =	sadd.s32 $0x40, s20;
	s17 =	sadd.s32 $0x40, s17  }
.LBB2_5:
0x8d: {  	_ =	sfence.sel $0x180000  }
0x8e: {  	[bflag:$0x0] =	sbarrier.arrive $0xFFFF  }
0x8f: {  	_ =	strace $0x9000004A  }
0x90: {  	s0 =	stileid.u32;
	[bflag:$0x2] =	sbarrier.arrive $0xFFFF  }
0x91: {  	p0 =	sne.s32 s0, $0x0;
	s0 =	rddreg [dreg:$0x3]  }
0x92: {  	s0 =	sadd.s32 @!p0 $0x100000, s0  }
0x93: {  	[sflag:s0] =	ssyncadd.tile.s32 @!p0 $0x1;
	_ =	shalt  }
.Lfunc_end2:
_tile_overlayer_lowered:
.L_overlay_start_2:
0x94: {  	(tag) =	ssettag $0x2  }
0x95: {  	s0 =	rddreg [dreg:$0x0];
	s2 =	stileid.u32  }
0x96: {  	s1 =	rddreg [dreg:$0x1];
	p0 =	sne.s32 s2, $0x0  }
0x97: {  	s3 =	rddreg [dreg:$0x2];
	[bflag:$0x3] =	sbarrier.arrive $0xFFFF;
	s2 =	simm.s32 @!p0 $0x1C09  }
0x98: {  	[timem:s3], [sflag:s2] =	dma.local @!p0 [hbm:s0], s1  }
0x99: {  	s0 =	simm.s32 @!p0 $0x9  }
0x9a: {  	_ =	swait.ge @!p0 [sflag:s0], s1  }
0x9b: {  	s1 =	ssub.s32 @!p0 $0x0, s1;
	[sflag:s0] =	ssyncset.done @!p0 $0x0  }
0x9c: {  	[sflag:s0] =	ssyncadd.s32 @!p0 s1  }
0x9d: {  	[bflag:$0x3] =	sbarrier.arrive $0xFFFF  }
0x9e: {  	_ =	shalt  }

// kernel: kernel.14.cloned.1.call-start
scs
__scs_entry_jumppad:
0x0: {  	(pc) =	sbr.rel $0x88, $3  }
0x1: {  	(tag) =	ssettag $0x0;
	lr =	simm.s32 $0x1  }
0x2: {  	[smem:$0x3F99] =	sst lr;
	_ =	strace $0xD0000000  }
0x3: {  	_ = 	snop  }
0x4: {  	_ = 	snop  }
0x5: {  	_ = 	snop  }
0x6: {  	_ = 	snop  }
0x7: {  	_ = 	snop  }
__scs_overlays_trampoline_lowered:
0x8: {  	[smem:$0x3FA8] =	sst s0  }
0x9: {  	[smem:$0x3FA9] =	sst s1  }
0xa: {  	[smem:$0x3FAA] =	sst s2  }
0xb: {  	[smem:$0x3FAB] =	sst s3  }
0xc: {  	[smem:$0x3FAC] =	sst s4  }
0xd: {  	[smem:$0x3FAD] =	sst s5  }
0xe: {  	[smem:$0x3FAE] =	sst s6  }
0xf: {  	[smem:$0x3FAF] =	sst s7  }
0x10: {  	[smem:$0x3FB0] =	sst s8  }
0x11: {  	[smem:$0x3FB1] =	sst s9;
	s0 =	simm.s32 @!p0 $0x0  }
0x12: {  	s1 =	sld [smem:$0x3F97];
	s0 =	simm.s32 @p0 $0x1  }
0x13: {  	[smem:$0x3FB2] =	sst s0;
	s0 =	simm.s32 @!p1 $0x0  }
0x14: {  	s2 =	sld [smem:$0x3F96];
	s0 =	simm.s32 @p1 $0x1  }
0x15: {  	[smem:$0x3FB3] =	sst s0;
	s0 =	simm.s32 @!p2 $0x0  }
0x16: {  	s3 =	sld [smem:$0x3FDB];
	s0 =	simm.s32 @p2 $0x1  }
0x17: {  	s4 =	simm.s32 $0x1BF5;
	[smem:$0x3FB5] =	sst s0  }
0x18: {  	s0 =	sld [smem:$0x3F98];
	_ =	swait.ge [sflag:s4], $0x0  }
0x19: {  	s7 =	sld [smem:$0x3F99]  }
0x1a: {  	s8 =	sadd.s32 $0xFFFFE003, lr  }
0x1b: {  	s9 =	sadd.s32 $0xFFFFFEF7, lr;
	s5 =	simm.s32 $0xFFFFFFFF;
	p2 =	slt.u32 s8, $0xFFFFF086  }
0x1c: {  	p1 =	slt.u32 s9, $0xF7A;
	s5 =	simm.s32 @!p2 $0x0  }
0x1d: {  	s5 =	simm.s32 @p1 $0x1;
	p0 =	seq.s32 s7, s2  }
0x1e: {  	s7 =	smul.u32 @!p0 $0xF7A, s2;
	p2 =	seq.s32 @!p0 s5, $0x0  }
0x1f: {  	s9 =	smul.u32 $0xF7A, s1;
	s8 =	simm.s32 @!p0 $0x1BF5;
	p2 =	por !p2, p0  }
0x20: {  	[sflag:s8] =	ssyncset.s32 @!p0 $0xFFFFF086;
	s6 =	sadd.s32 @!p0 s3, s7;
	s7 =	simm.s32 @!p0 $0x108  }
0x21: {  	s3 =	sadd.s32 s3, s9;
	s6 =	sadd.s32 @!p0 $0x88, s6;
	s7 =	simm.s32 @p2 $0x1082  }
0x22: {  	[simem:s7], [sflag:s8] =	dma.local @!p0 [hbm:s6], $0xF7A  }
0x23: {  	s9 =	sor.u32 $0xD0000000, s2;
	s6 =	simm.s32 $0x108;
	_ =	swait.ge @!p0 [sflag:s8], $0x0  }
0x24: {  	s3 =	sadd.s32 $0x88, s3;
	s6 =	simm.s32 @!p1 $0x1082;
	[sflag:s4] =	ssyncset.s32 $0xFFFFF086  }
0x25: {  	[simem:s6], [sflag:s4] =	dma.local [hbm:s3], $0xF7A  }
0x26: {  	[smem:$0x3F99] =	sst s1;
	(tag) =	ssettag s2;
	_ =	strace s9  }
0x27: {  	s1 =	sld [smem:$0x3FA9]  }
0x28: {  	s2 =	sld [smem:$0x3FAA]  }
0x29: {  	s4 =	sld [smem:$0x3FAC]  }
0x2a: {  	p0 =	seq.s32 s5, $0x0;
	s5 =	sld [smem:$0x3FAD]  }
0x2b: {  	s6 =	sld [smem:$0x3FAE]  }
0x2c: {  	s7 =	sld [smem:$0x3FAF]  }
0x2d: {  	s3 =	simm.s32 $0x108;
	s8 =	sld [smem:$0x3FB0]  }
0x2e: {  	s3 =	simm.s32 @!p0 $0x1082;
	s9 =	sld [smem:$0x3FB1]  }
0x2f: {  	lr =	sadd.s32 s0, s3;
	s0 =	sld [smem:$0x3FA8]  }
0x30: {  	s3 =	sld [smem:$0x3FAB]  }
0x31: {  	[smem:$0x3FB4] =	sst s10  }
0x32: {  	s10 =	sld [smem:$0x3FB2];
	_ =	sdelay $0x3  }
0x33: {  	p0 =	seq.s32 s10, $0x1;
	s10 =	sld [smem:$0x3FB4];
	_ =	sdelay $0x3  }
0x34: {  	[smem:$0x3FB4] =	sst s10  }
0x35: {  	s10 =	sld [smem:$0x3FB3];
	_ =	sdelay $0x3  }
0x36: {  	p1 =	seq.s32 s10, $0x1;
	s10 =	sld [smem:$0x3FB4];
	_ =	sdelay $0x3  }
0x37: {  	[smem:$0x3FB4] =	sst s10  }
0x38: {  	s10 =	sld [smem:$0x3FB5]  }
0x39: {  	_ = 	snop;
	(pc) =	sbr.ind lr, $3  }
0x3a: {  	_ = 	snop  }
0x3b: {  	_ = 	snop  }
0x3c: {  	p2 =	seq.s32 s10, $0x1;
	s10 =	sld [smem:$0x3FB4]  }
0x3d: {  	_ =	shalt  }
0x3e: {  	_ =	shalt  }
0x3f: {  	_ =	shalt  }
0x40: {  	_ =	shalt  }
0x41: {  	_ =	shalt  }
0x42: {  	_ =	shalt  }
0x43: {  	_ =	shalt  }
0x44: {  	_ =	shalt  }
0x45: {  	_ =	shalt  }
0x46: {  	_ =	shalt  }
0x47: {  	_ =	shalt  }
0x48: {  	_ =	shalt  }
0x49: {  	_ =	shalt  }
0x4a: {  	_ =	shalt  }
0x4b: {  	_ =	shalt  }
0x4c: {  	_ =	shalt  }
0x4d: {  	_ =	shalt  }
0x4e: {  	_ =	shalt  }
0x4f: {  	_ =	shalt  }
0x50: {  	_ =	shalt  }
0x51: {  	_ =	shalt  }
0x52: {  	_ =	shalt  }
0x53: {  	_ =	shalt  }
0x54: {  	_ =	shalt  }
0x55: {  	_ =	shalt  }
0x56: {  	_ =	shalt  }
0x57: {  	_ =	shalt  }
0x58: {  	_ =	shalt  }
0x59: {  	_ =	shalt  }
0x5a: {  	_ =	shalt  }
0x5b: {  	_ =	shalt  }
0x5c: {  	_ =	shalt  }
0x5d: {  	_ =	shalt  }
0x5e: {  	_ =	shalt  }
0x5f: {  	_ =	shalt  }
0x60: {  	_ =	shalt  }
0x61: {  	_ =	shalt  }
0x62: {  	_ =	shalt  }
0x63: {  	_ =	shalt  }
0x64: {  	_ =	shalt  }
0x65: {  	_ =	shalt  }
0x66: {  	_ =	shalt  }
0x67: {  	_ =	shalt  }
0x68: {  	_ =	shalt  }
0x69: {  	_ =	shalt  }
0x6a: {  	_ =	shalt  }
0x6b: {  	_ =	shalt  }
0x6c: {  	_ =	shalt  }
0x6d: {  	_ =	shalt  }
0x6e: {  	_ =	shalt  }
0x6f: {  	_ =	shalt  }
0x70: {  	_ =	shalt  }
0x71: {  	_ =	shalt  }
0x72: {  	_ =	shalt  }
0x73: {  	_ =	shalt  }
0x74: {  	_ =	shalt  }
0x75: {  	_ =	shalt  }
0x76: {  	_ =	shalt  }
0x77: {  	_ =	shalt  }
0x78: {  	_ =	shalt  }
0x79: {  	_ =	shalt  }
0x7a: {  	_ =	shalt  }
0x7b: {  	_ =	shalt  }
0x7c: {  	_ =	shalt  }
0x7d: {  	_ =	shalt  }
0x7e: {  	_ =	shalt  }
0x7f: {  	_ =	shalt  }
0x80: {  	_ =	shalt  }
0x81: {  	_ =	shalt  }
0x82: {  	_ =	shalt  }
0x83: {  	_ =	shalt  }
0x84: {  	_ =	shalt  }
0x85: {  	_ =	shalt  }
0x86: {  	_ =	shalt  }
0x87: {  	_ =	shalt  }
.Lfunc_end0:
.L_simem_size_0:
called_computation.2_lowered:
.L_overlay_start_0:
0x88: {  	s2 =	sld [smem:$0x3FD9]  }
0x89: {  	s3 =	sld [smem:$0x3FFE];
	_ =	sdelay $0x1  }
0x8a: {  	s1 =	srdreg.scid  }
0x8b: {  	s0 =	sand.u32 $0x1, s1  }
0x8c: {  	s17 =	sshll.u32 s0, $0xA;
	s2 =	sadd.s32 s3, s2  }
0x8d: {  	s2 =	sadd.s32 s2, s17  }
0x8e: {  	[smem:$0x3FC0] =	sst s2  }
0x8f: {  	_ = 	snop  }
0x90: {  	s2 =	sld [smem:$0x3FD0];
	(tm) =	ssettm $0x1  }
0x91: {  	s18 =	sld [smem:$0x3FFB];
	_ =	sdelay $0x3  }
0x92: {  	_ =	strace s18  }
0x93: {  	s3 =	sld [smem:$0x3FFC];
	_ =	sdelay $0x3  }
0x94: {  	_ =	strace s3  }
0x95: {  	s3 =	sld [smem:$0x3FFD];
	_ =	sdelay $0x3  }
0x96: {  	_ =	strace s3  }
0x97: {  	_ =	strace $0x8FFFFFFF  }
0x98: {  	s19 =	sld [smem:$0x3FDB];
	_ =	sdelay $0x1  }
0x99: {  	s4 =	simm.s32 $_scs_section_size  }
0x9a: {  	s5 =	simm.s32 $_size__tile_overlayer_lowered;
	s6 =	simm.s32 $_tile_overlayer_lowered  }
0x9b: {  	s22 =	simm.s32 $0x1BFF;
	s21 =	sshll.u32 s6, $0x1;
	s3 =	sadd.s32 s4, s19  }
0x9c: {  	s7 =	simm.s32 $0x0;
	s20 =	sshll.u32 s5, $0x1;
	s5 =	sadd.s32 s21, s3  }
0x9d: {  	[timem:s7], [sflag:s22] =	dma.local [hbm:s5], s20  }
0x9e: {  	_ =	swait.ge [sflag:s22], s20  }
0x9f: {  	s4 =	ssub.s32 $0x0, s20;
	[sflag:s22] =	ssyncset.done $0x0  }
0xa0: {  	[sflag:s22] =	ssyncadd.s32 s4;
	_ =	sdelay $0x1  }
0xa1: {  	s23 =	simm.s32 $0x1B8B  }
0xa2: {  	_ =	swait.ge [sflag:s23], $0x1  }
0xa3: {  	[sflag:s23] =	ssyncset.done $0x0  }
0xa4: {  	s25 =	simm.s32 $0x1B8E;
	s24 =	sld [smem:$0x3FFE];
	[sflag:s23] =	ssyncadd.s32 $0xFFFFFFFF  }
0xa5: {  	s26 =	simm.s32 $execute0_lowered;
	[smem:$0x3FD2] =	sst s25  }
0xa6: {  	s5 =	sshll.u32 s26, $0x1;
	_ =	strace $0x8000004C;
	[dreg:$0x1] =	wrdreg $0xFFFFFFFF  }
0xa7: {  	s28 =	simm.s32 $_size_execute0_lowered;
	s3 =	sadd.s32 s3, s5;
	[dreg:$0x0] =	wrdreg $0x0  }
0xa8: {  	s5 =	sshll.u32 s28, $0x1;
	[dreg:$0x2] =	wrdreg s3  }
0xa9: {  	[dreg:$0x3] =	wrdreg s5  }
0xaa: {  	[dreg:$0x4] =	wrdreg $0xC0  }
0xab: {  	_ =	task [dreg:s7], $0x5FFFF  }
0xac: {  	[dreg:$0x1] =	wrdreg $0xFFFFFFFF  }
0xad: {  	[dreg:$0x0] =	wrdreg $0x60  }
0xae: {  	[dreg:$0x2] =	wrdreg s24  }
0xaf: {  	[dreg:$0x3] =	wrdreg s2  }
0xb0: {  	[dreg:$0x4] =	wrdreg $0xAA000  }
0xb1: {  	[dreg:$0x5] =	wrdreg $0x9  }
0xb2: {  	_ =	task.clear_ibuf [dreg:s7], $0x6FFFF;
	_ =	strace $0x9000004C  }
0xb3: {  	s29 =	simm.s32 $0x9;
	_ =	strace $0x8000004E  }
0xb4: {  	_ =	swait.ge [sflag:s29], $0x1  }
0xb5: {  	[sflag:s29] =	ssyncadd.s32 $0xFFFFFFFF  }
0xb6: {  	_ =	strace $0x9000004E  }
0xb7: {  	_ =	sfence  }
0xb8: {  	s30 =	sld [smem:$0x0];
	_ =	sdelay $0x2  }
0xb9: {  	s31 =	sshll.u32 s1, $0xD;
	s1 =	sshrl.u32 s1, $0x2  }
0xba: {  	s3 =	sand.u32 $0x4000, s31;
	s1 =	sadd.s32 s1, s30  }
0xbb: {  	s0 =	sor.u32 s3, s0;
	s1 =	sshll.u32 s1, $0x11  }
0xbc: {  	s0 =	sor.u32 s1, s0  }
0xbd: {  	s0 =	sadd.s32 $0x8F2B, s0  }
0xbe: {  	[sflag:s0] =	ssyncadd.remote.s32 $0x1  }
0xbf: {  	_ =	sfence.sel $0xFFFF  }
0xc0: {  	[dreg:$0x0] =	wrdreg $0xFFFFFFFF;
	(pc) =	sbr.abs _section_cstart, $3  }
0xc1: {  	[dreg:$0x1] =	wrdreg $0xFFFFFFFF  }
0xc2: {  	_ =	task.clear_ibuf [dreg:s7], $0x2FFFF;
	_ =	strace $0x9FFFFFFF  }
0xc3: {  	(tm) =	ssettm $0x7FFFFFFF  }
tec
execute0_lowered:
.L_overlay_start_1:
0x0: {  	(tag) =	ssettag $0x1  }
0x1: {  	s0 =	rddreg [dreg:$0x0];
	s1 =	srdreg.scid  }
0x2: {  	s15 =	stileid.u32;
	s5 =	rddreg [dreg:$0x1]  }
0x3: {  	s2 =	rddreg [dreg:$0x2];
	s28 =	simm.s32 $0x80;
	s6 =	smul.u32 $0x280, s15  }
0x4: {  	s29 =	simm.s32 $0x2A00;
	s30 =	simm.s32 $0x2980;
	s12 =	smul.u32 $0x50000, s15  }
0x5: {  	s31 =	simm.s32 $0x3;
	s1 =	sand.u32 $0x1, s1;
	s14 =	smul.u32 $0x2800, s15  }
0x6: {  	s3 =	sshll.u32 s15, $0x1;
	s11 =	sadd.s32 $0xDA00, s0;
	s25 =	smul.u32 $0x5000, s15  }
0x7: {  	s4 =	sor.u32 s1, s3;
	s3 =	simm.s32 $0x0;
	s9 =	smul.u32 $0x2800, s1  }
0x8: {  	s1 =	ssub.s32 $0x2, s1;
	s4 =	smul.u32 $0x2800, s4;
	[smem:$0x7FF] =	sst s3  }
0x9: {  	s13 =	sshrl.u32 s1, $0x1;
	s22 =	sshrl.u32 s12, $0x2;
	s23 =	sadd.s32 s11, s14  }
0xa: {  	_ =	strace $0x8000004D;
	s7 =	sadd.s32 s6, s9;
	s1 =	ssub.s32 s1, s13  }
0xb: {  	[dreg:$0x5] =	wrdreg s23;
	s6 =	sadd.s32 $0x140, s6;
	s16 =	sadd.s32 s9, s25  }
0xc: {  	s9 =	simm.s32 $0x2;
	s8 =	sshrl.u32 s4, $0x3;
	s4 =	sadd.s32 $0x35A00, s0  }
0xd: {  	s7 =	sshll.u32 s7, $0x4;
	s24 =	sshll.u32 s6, $0x7;
	s6 =	sshll.u32 s6, $0x4  }
0xe: {  	s18 =	sor.u32 $0x380, s16;
	s21 =	smax.u32 s1, $0x1;
	s23 =	sor.u32 $0x300, s16  }
0xf: {  	s10 =	sadd.s32 s8, s0;
	s0 =	sadd.s32 s7, s0;
	s7 =	sadd.s32 s22, s2  }
0x10: {  	s12 =	sadd.s32 s24, s2;
	s6 =	sadd.s32 s11, s6;
	[dreg:$0xe] =	wrdreg s21  }
0x11: {  	s24 =	sor.u32 $0x280, s16;
	s11 =	simm.s32 $0x8;
	[dreg:$0x4] =	wrdreg s7  }
0x12: {  	s7 =	sshll.u32 s15, $0x6;
	[dreg:$0x7] =	wrdreg s6;
	s19 =	sadd.s32 $0x3A00, s10  }
0x13: {  	s15 =	sadd.s32 s5, s8;
	s0 =	sadd.s32 $0x5CC00, s0;
	[dreg:$0xb] =	wrdreg s19  }
0x14: {  	s6 =	sor.u32 $0x200, s16;
	s1 =	sshrl.u32 s24, $0x3;
	[dreg:$0x8] =	wrdreg s15  }
0x15: {  	s24 =	simm.s32 $0x2900;
	s26 =	sor.u32 $0x1C03, s7;
	[dreg:$0xd] =	wrdreg s0  }
0x16: {  	s8 =	sadd.s32 $0x10, s15;
	s17 =	sadd.s32 $0x20, s15;
	[dreg:$0x6] =	wrdreg s26  }
0x17: {  	s20 =	sadd.s32 $0x30, s15;
	s0 =	sshrl.u32 s23, $0x3;
	[dreg:$0x9] =	wrdreg s8  }
0x18: {  	s6 =	sshrl.u32 s6, $0x3;
	s25 =	sadd.s32 s1, s5;
	[dreg:$0xa] =	wrdreg s17  }
0x19: {  	s23 =	simm.s32 $0x2880;
	s1 =	simm.s32 $0x4;
	[dreg:$0xc] =	wrdreg s20  }
0x1a: {  	s8 =	sshrl.u32 s18, $0x3;
	s0 =	sadd.s32 s0, s5;
	[dreg:$0x11] =	wrdreg s25  }
.Ltmp0:
0x1b: {  	s14 =	sadd.s32 s6, s5;
	s26 =	sshrl.u32 s12, $0x3;
	(pc) =	sbr.rel .LBB2_1-.Ltmp0, $4  }
0x1c: {  	s25 =	simm.s32 $0x9;
	s6 =	simm.s32 $0x1;
	[dreg:$0x10] =	wrdreg s0  }
0x1d: {  	s12 =	simm.s32 $0x0;
	s22 =	sadd.s32 s8, s5;
	[dreg:$0x12] =	wrdreg s26  }
0x1e: {  	s26 =	simm.s32 $0x5;
	s0 =	simm.s32 $0x6;
	s5 =	simm.s32 $0x6A00  }
0x1f: {  	s8 =	simm.s32 $0x7;
	[dreg:$0xf] =	wrdreg s22;
	s22 =	simm.s32 $0x2800  }
.LBB2_4:
0x20: {  	_ =	swait.ge [sflag:s9], $0x4000  }
0x21: {  	[sflag:s9] =	ssyncset.done $0x0  }
0x22: {  	[sflag:s9] =	ssyncadd.s32 $0xFFFFC000  }
0x23: {  	[spmem:s2] =	stream.indirect.scatter.add.f32 [tilespmem:s5], [sflag:$0x4], $0x80, s16, s28, $0xb8;
	[tilespmem:$0x1EA00] =	vst v63  }
0x24: {  	_ =	swait.ge [sflag:s31], $0x4000  }
0x25: {  	[sflag:s31] =	ssyncset.done $0x0  }
0x26: {  	[sflag:s31] =	ssyncadd.s32 $0xFFFFC000  }
0x27: {  	_ =	swait.ge [sflag:s1], $0x4000  }
0x28: {  	[sflag:s1] =	ssyncset.done $0x0  }
0x29: {  	[sflag:s1] =	ssyncadd.s32 $0xFFFFC000  }
0x2a: {  	[bflag:$0x0] =	sbarrier.arrive $0xFFFF  }
0x2b: {  	s10 =	sor.u32 $0x1C09, s7;
	s15 =	rddreg [dreg:$0xd]  }
0x2c: {  	[hbm:s15], [sflag:s10] =	dma.local [spmem:s13], $0x2800  }
0x2d: {  	_ =	swait.ge [sflag:s25], $0x2800  }
0x2e: {  	s12 =	sadd.s32 $0x1, s12;
	s21 =	rddreg [dreg:$0xe]  }
0x2f: {  	p0 =	sne.s32 s12, s21  }
.Ltmp1:
0x30: {  	_ = 	snop;
	(pc) =	sbr.rel @!p0 .LBB2_5-.Ltmp1, $3  }
0x31: {  	_ =	sdelay $0x1  }
0x32: {  	[sflag:s25] =	ssyncset.done $0x0  }
0x33: {  	[sflag:s25] =	ssyncadd.s32 $0xFFFFD800  }
.LBB2_1:
0x34: {  	s10 =	rddreg [dreg:$0x4]  }
0x35: {  	s16 =	rddreg [dreg:$0x5]  }
0x36: {  	s15 =	rddreg [dreg:$0x6];
	s13 =	sshrl.u32 s10, $0x3  }
0x37: {  	[spmem:s13], [sflag:s15] =	dma.local [hbm:s16], $0x1400  }
0x38: {  	s15 =	rddreg [dreg:$0x7]  }
0x39: {  	s17 =	sor.u32 $0x1C04, s7;
	s16 =	rddreg [dreg:$0x12]  }
0x3a: {  	[spmem:s16], [sflag:s17] =	dma.local [hbm:s15], $0x1400  }
0x3b: {  	s10 =	rddreg [dreg:$0x8]  }
0x3c: {  	[tilespmem:s22], [sflag:$0x5] =	stream.linear.gather [hbm4b:s10+s3], $0x80, $0x38;
	[tilespmem:$0x1EA00] =	vst v63  }
0x3d: {  	s18 =	rddreg [dreg:$0x9]  }
0x3e: {  	[tilespmem:s23], [sflag:$0x6] =	stream.linear.gather [hbm4b:s18+s3], $0x80, $0x38;
	[tilespmem:$0x1EA00] =	vst v63  }
0x3f: {  	s19 =	rddreg [dreg:$0xa]  }
0x40: {  	[tilespmem:s24], [sflag:$0x7] =	stream.linear.gather [hbm4b:s19+s3], $0x80, $0x38;
	[tilespmem:$0x1EA00] =	vst v63  }
0x41: {  	s20 =	rddreg [dreg:$0xb]  }
0x42: {  	[tilespmem:s3], [sflag:$0x9] =	stream.linear.gather [hbm4b:s20+s3], $0x2800, $0x38;
	[tilespmem:$0x1EA00] =	vst v63  }
0x43: {  	_ =	swait.ge [sflag:s25], $0x2800  }
0x44: {  	[sflag:s25] =	ssyncset.done $0x0  }
0x45: {  	[sflag:s25] =	ssyncadd.s32 $0xFFFFD800  }
0x46: {  	_ =	swait.ge [sflag:s26], $0x80  }
0x47: {  	[sflag:s26] =	ssyncset.done $0x0  }
0x48: {  	[sflag:s26] =	ssyncadd.s32 $0xFFFFFF80  }
0x49: {  	[tilespmem:s29], [sflag:$0x1] =	stream.indirect.gather [hbm4b:s4+s28], $0x80, s22, s28, $0xb8;
	[tilespmem:$0x1EA00] =	vst v63  }
0x4a: {  	s21 =	rddreg [dreg:$0xc]  }
0x4b: {  	[tilespmem:s30], [sflag:$0x8] =	stream.linear.gather [hbm4b:s21+s3], $0x80, $0x38;
	[tilespmem:$0x1EA00] =	vst v63  }
0x4c: {  	_ =	swait.ge [sflag:s31], $0x1400  }
0x4d: {  	[sflag:s31] =	ssyncset.done $0x0  }
0x4e: {  	[sflag:s31] =	ssyncadd.s32 $0xFFFFEC00  }
0x4f: {  	_ =	swait.ge [sflag:s1], $0x1400  }
0x50: {  	[sflag:s1] =	ssyncset.done $0x0  }
0x51: {  	[sflag:s1] =	ssyncadd.s32 $0xFFFFEC00  }
0x52: {  	[bflag:$0x0] =	sbarrier.arrive $0xFFFF  }
0x53: {  	s19 =	rddreg [dreg:$0x11]  }
0x54: {  	s18 =	rddreg [dreg:$0x10]  }
0x55: {  	s10 =	simm.s32 $0x0;
	s20 =	smov.u32 s14;
	s17 =	rddreg [dreg:$0xf]  }
.LBB2_2:
0x56: {  	p0 =	seq.s32 s10, $0x0  }
0x57: {  	s16 =	simm.s32 @!p0 $0x4  }
0x58: {  	_ =	swait.ge @!p0 [sflag:s16], $0x4000  }
0x59: {  	[sflag:s16] =	ssyncset.done @!p0 $0x0  }
0x5a: {  	[sflag:s16] =	ssyncadd.s32 @!p0 $0xFFFFC000  }
0x5b: {  	_ =	swait.ge [sflag:s0], $0x80  }
0x5c: {  	[sflag:s0] =	ssyncset.done $0x0  }
0x5d: {  	[sflag:s0] =	ssyncadd.s32 $0xFFFFFF80  }
0x5e: {  	[tilespmem:s5], [sflag:$0x2] =	stream.indirect.gather [hbm4b:s4+s28], $0x80, s23, s28, $0xb8;
	[tilespmem:$0x1EA00] =	vst v63  }
0x5f: {  	_ =	swait.ge [sflag:s6], $0x4000  }
0x60: {  	[sflag:s6] =	ssyncset.done $0x0  }
0x61: {  	s16 =	sshra.s32 s10, $0x2;
	p0 =	seq.s32 s10, $0x9800;
	[sflag:s6] =	ssyncadd.s32 $0xFFFFC000  }
0x62: {  	[spmem:s2] =	stream.indirect.scatter.add.f32 [tilespmem:s29], [sflag:$0x3], $0x80, s16, s28, $0xb8;
	[tilespmem:$0x1EA00] =	vst v63  }
0x63: {  	s15 =	simm.s32 @!p0 $0x0;
	s21 =	simm.s32 @!p0 $0x2800  }
0x64: {  	[tilespmem:s21], [sflag:$0x5] =	stream.linear.gather @!p0 [hbm4b:s20+s15], $0x80, $0x38;
	[tilespmem:$0x1EA00] =	vst v63  }
0x65: {  	_ =	swait.ge [sflag:s31], $0x4000  }
0x66: {  	[sflag:s31] =	ssyncset.done $0x0  }
0x67: {  	[sflag:s31] =	ssyncadd.s32 $0xFFFFC000  }
0x68: {  	_ =	swait.ge [sflag:s8], $0x80  }
0x69: {  	[sflag:s8] =	ssyncset.done $0x0  }
0x6a: {  	[sflag:s8] =	ssyncadd.s32 $0xFFFFFF80  }
0x6b: {  	[tilespmem:s29], [sflag:$0x1] =	stream.indirect.gather [hbm4b:s4+s28], $0x80, s24, s28, $0xb8;
	[tilespmem:$0x1EA00] =	vst v63  }
0x6c: {  	_ =	swait.ge [sflag:s9], $0x4000  }
0x6d: {  	[sflag:s9] =	ssyncset.done $0x0  }
0x6e: {  	s21 =	sadd.s32 $0x80, s16;
	[sflag:s9] =	ssyncadd.s32 $0xFFFFC000  }
0x6f: {  	[spmem:s2] =	stream.indirect.scatter.add.f32 [tilespmem:s5], [sflag:$0x4], $0x80, s21, s28, $0xb8;
	[tilespmem:$0x1EA00] =	vst v63  }
0x70: {  	s21 =	simm.s32 @!p0 $0x2880  }
0x71: {  	[tilespmem:s21], [sflag:$0x6] =	stream.linear.gather @!p0 [hbm4b:s19+s15], $0x80, $0x38;
	[tilespmem:$0x1EA00] =	vst v63  }
0x72: {  	_ =	swait.ge [sflag:s1], $0x4000  }
0x73: {  	[sflag:s1] =	ssyncset.done $0x0  }
0x74: {  	[sflag:s1] =	ssyncadd.s32 $0xFFFFC000  }
0x75: {  	_ =	swait.ge [sflag:s11], $0x80  }
0x76: {  	[sflag:s11] =	ssyncset.done $0x0  }
0x77: {  	[sflag:s11] =	ssyncadd.s32 $0xFFFFFF80  }
0x78: {  	[tilespmem:s5], [sflag:$0x2] =	stream.indirect.gather [hbm4b:s4+s28], $0x80, s30, s28, $0xb8;
	[tilespmem:$0x1EA00] =	vst v63  }
.Ltmp2:
0x79: {  	_ = 	snop;
	(pc) =	sbr.rel @p0 .LBB2_4-.Ltmp2, $4  }
0x7a: {  	_ =	swait.ge [sflag:s6], $0x4000  }
0x7b: {  	[sflag:s6] =	ssyncset.done $0x0  }
0x7c: {  	s21 =	sadd.s32 $0x100, s16;
	s16 =	sadd.s32 $0x180, s16;
	[sflag:s6] =	ssyncadd.s32 $0xFFFFC000  }
0x7d: {  	[spmem:s2] =	stream.indirect.scatter.add.f32 [tilespmem:s29], [sflag:$0x3], $0x80, s21, s28, $0xb8;
	[tilespmem:$0x1EA00] =	vst v63  }
0x7e: {  	[tilespmem:s24], [sflag:$0x7] =	stream.linear.gather [hbm4b:s18+s3], $0x80, $0x38;
	[tilespmem:$0x1EA00] =	vst v63  }
0x7f: {  	_ =	swait.ge [sflag:s31], $0x4000  }
0x80: {  	[sflag:s31] =	ssyncset.done $0x0  }
0x81: {  	[sflag:s31] =	ssyncadd.s32 $0xFFFFC000  }
0x82: {  	_ =	swait.ge [sflag:s26], $0x80  }
0x83: {  	[sflag:s26] =	ssyncset.done $0x0  }
0x84: {  	[sflag:s26] =	ssyncadd.s32 $0xFFFFFF80  }
0x85: {  	[tilespmem:s29], [sflag:$0x1] =	stream.indirect.gather [hbm4b:s4+s28], $0x80, s22, s28, $0xb8;
	[tilespmem:$0x1EA00] =	vst v63  }
0x86: {  	_ =	swait.ge [sflag:s9], $0x4000  }
0x87: {  	[sflag:s9] =	ssyncset.done $0x0  }
.Ltmp3:
0x88: {  	[sflag:s9] =	ssyncadd.s32 $0xFFFFC000;
	(pc) =	sbr.rel .LBB2_2-.Ltmp3, $4  }
0x89: {  	[spmem:s2] =	stream.indirect.scatter.add.f32 [tilespmem:s5], [sflag:$0x4], $0x80, s16, s28, $0xb8;
	[tilespmem:$0x1EA00] =	vst v63  }
0x8a: {  	s10 =	sadd.s32 $0x800, s10;
	s18 =	sadd.s32 $0x40, s18  }
0x8b: {  	[tilespmem:s30], [sflag:$0x8] =	stream.linear.gather [hbm4b:s17+s3], $0x80, $0x38;
	[tilespmem:$0x1EA00] =	vst v63  }
0x8c: {  	s19 =	sadd.s32 $0x40, s19;
	s20 =	sadd.s32 $0x40, s20;
	s17 =	sadd.s32 $0x40, s17  }
.LBB2_5:
0x8d: {  	_ =	sfence.sel $0x180000  }
0x8e: {  	[bflag:$0x0] =	sbarrier.arrive $0xFFFF  }
0x8f: {  	_ =	strace $0x9000004D  }
0x90: {  	s0 =	stileid.u32;
	[bflag:$0x2] =	sbarrier.arrive $0xFFFF  }
0x91: {  	p0 =	sne.s32 s0, $0x0;
	s0 =	rddreg [dreg:$0x3]  }
0x92: {  	s0 =	sadd.s32 @!p0 $0x100000, s0  }
0x93: {  	[sflag:s0] =	ssyncadd.tile.s32 @!p0 $0x1;
	_ =	shalt  }
.Lfunc_end2:
_tile_overlayer_lowered:
.L_overlay_start_2:
0x94: {  	(tag) =	ssettag $0x2  }
0x95: {  	s0 =	rddreg [dreg:$0x0];
	s2 =	stileid.u32  }
0x96: {  	s1 =	rddreg [dreg:$0x1];
	p0 =	sne.s32 s2, $0x0  }
0x97: {  	s3 =	rddreg [dreg:$0x2];
	[bflag:$0x3] =	sbarrier.arrive $0xFFFF;
	s2 =	simm.s32 @!p0 $0x1C09  }
0x98: {  	[timem:s3], [sflag:s2] =	dma.local @!p0 [hbm:s0], s1  }
0x99: {  	s0 =	simm.s32 @!p0 $0x9  }
0x9a: {  	_ =	swait.ge @!p0 [sflag:s0], s1  }
0x9b: {  	s1 =	ssub.s32 @!p0 $0x0, s1;
	[sflag:s0] =	ssyncset.done @!p0 $0x0  }
0x9c: {  	[sflag:s0] =	ssyncadd.s32 @!p0 s1  }
0x9d: {  	[bflag:$0x3] =	sbarrier.arrive $0xFFFF  }
0x9e: {  	_ =	shalt  }

// kernel: kernel.8.cloned.1.call-start
scs
__scs_entry_jumppad:
0x0: {  	(pc) =	sbr.rel $0x88, $3  }
0x1: {  	(tag) =	ssettag $0x0;
	lr =	simm.s32 $0x1  }
0x2: {  	[smem:$0x3F99] =	sst lr;
	_ =	strace $0xD0000000  }
0x3: {  	_ = 	snop  }
0x4: {  	_ = 	snop  }
0x5: {  	_ = 	snop  }
0x6: {  	_ = 	snop  }
0x7: {  	_ = 	snop  }
__scs_overlays_trampoline_lowered:
0x8: {  	[smem:$0x3FA8] =	sst s0  }
0x9: {  	[smem:$0x3FA9] =	sst s1  }
0xa: {  	[smem:$0x3FAA] =	sst s2  }
0xb: {  	[smem:$0x3FAB] =	sst s3  }
0xc: {  	[smem:$0x3FAC] =	sst s4  }
0xd: {  	[smem:$0x3FAD] =	sst s5  }
0xe: {  	[smem:$0x3FAE] =	sst s6  }
0xf: {  	[smem:$0x3FAF] =	sst s7  }
0x10: {  	[smem:$0x3FB0] =	sst s8  }
0x11: {  	[smem:$0x3FB1] =	sst s9;
	s0 =	simm.s32 @!p0 $0x0  }
0x12: {  	s1 =	sld [smem:$0x3F97];
	s0 =	simm.s32 @p0 $0x1  }
0x13: {  	[smem:$0x3FB2] =	sst s0;
	s0 =	simm.s32 @!p1 $0x0  }
0x14: {  	s2 =	sld [smem:$0x3F96];
	s0 =	simm.s32 @p1 $0x1  }
0x15: {  	[smem:$0x3FB3] =	sst s0;
	s0 =	simm.s32 @!p2 $0x0  }
0x16: {  	s3 =	sld [smem:$0x3FDB];
	s0 =	simm.s32 @p2 $0x1  }
0x17: {  	s4 =	simm.s32 $0x1BF5;
	[smem:$0x3FB5] =	sst s0  }
0x18: {  	s0 =	sld [smem:$0x3F98];
	_ =	swait.ge [sflag:s4], $0x0  }
0x19: {  	s7 =	sld [smem:$0x3F99]  }
0x1a: {  	s8 =	sadd.s32 $0xFFFFE003, lr  }
0x1b: {  	s9 =	sadd.s32 $0xFFFFFEF7, lr;
	s5 =	simm.s32 $0xFFFFFFFF;
	p2 =	slt.u32 s8, $0xFFFFF086  }
0x1c: {  	p1 =	slt.u32 s9, $0xF7A;
	s5 =	simm.s32 @!p2 $0x0  }
0x1d: {  	s5 =	simm.s32 @p1 $0x1;
	p0 =	seq.s32 s7, s2  }
0x1e: {  	s7 =	smul.u32 @!p0 $0xF7A, s2;
	p2 =	seq.s32 @!p0 s5, $0x0  }
0x1f: {  	s9 =	smul.u32 $0xF7A, s1;
	s8 =	simm.s32 @!p0 $0x1BF5;
	p2 =	por !p2, p0  }
0x20: {  	[sflag:s8] =	ssyncset.s32 @!p0 $0xFFFFF086;
	s6 =	sadd.s32 @!p0 s3, s7;
	s7 =	simm.s32 @!p0 $0x108  }
0x21: {  	s3 =	sadd.s32 s3, s9;
	s6 =	sadd.s32 @!p0 $0x88, s6;
	s7 =	simm.s32 @p2 $0x1082  }
0x22: {  	[simem:s7], [sflag:s8] =	dma.local @!p0 [hbm:s6], $0xF7A  }
0x23: {  	s9 =	sor.u32 $0xD0000000, s2;
	s6 =	simm.s32 $0x108;
	_ =	swait.ge @!p0 [sflag:s8], $0x0  }
0x24: {  	s3 =	sadd.s32 $0x88, s3;
	s6 =	simm.s32 @!p1 $0x1082;
	[sflag:s4] =	ssyncset.s32 $0xFFFFF086  }
0x25: {  	[simem:s6], [sflag:s4] =	dma.local [hbm:s3], $0xF7A  }
0x26: {  	[smem:$0x3F99] =	sst s1;
	(tag) =	ssettag s2;
	_ =	strace s9  }
0x27: {  	s1 =	sld [smem:$0x3FA9]  }
0x28: {  	s2 =	sld [smem:$0x3FAA]  }
0x29: {  	s4 =	sld [smem:$0x3FAC]  }
0x2a: {  	p0 =	seq.s32 s5, $0x0;
	s5 =	sld [smem:$0x3FAD]  }
0x2b: {  	s6 =	sld [smem:$0x3FAE]  }
0x2c: {  	s7 =	sld [smem:$0x3FAF]  }
0x2d: {  	s3 =	simm.s32 $0x108;
	s8 =	sld [smem:$0x3FB0]  }
0x2e: {  	s3 =	simm.s32 @!p0 $0x1082;
	s9 =	sld [smem:$0x3FB1]  }
0x2f: {  	lr =	sadd.s32 s0, s3;
	s0 =	sld [smem:$0x3FA8]  }
0x30: {  	s3 =	sld [smem:$0x3FAB]  }
0x31: {  	[smem:$0x3FB4] =	sst s10  }
0x32: {  	s10 =	sld [smem:$0x3FB2];
	_ =	sdelay $0x3  }
0x33: {  	p0 =	seq.s32 s10, $0x1;
	s10 =	sld [smem:$0x3FB4];
	_ =	sdelay $0x3  }
0x34: {  	[smem:$0x3FB4] =	sst s10  }
0x35: {  	s10 =	sld [smem:$0x3FB3];
	_ =	sdelay $0x3  }
0x36: {  	p1 =	seq.s32 s10, $0x1;
	s10 =	sld [smem:$0x3FB4];
	_ =	sdelay $0x3  }
0x37: {  	[smem:$0x3FB4] =	sst s10  }
0x38: {  	s10 =	sld [smem:$0x3FB5]  }
0x39: {  	_ = 	snop;
	(pc) =	sbr.ind lr, $3  }
0x3a: {  	_ = 	snop  }
0x3b: {  	_ = 	snop  }
0x3c: {  	p2 =	seq.s32 s10, $0x1;
	s10 =	sld [smem:$0x3FB4]  }
0x3d: {  	_ =	shalt  }
0x3e: {  	_ =	shalt  }
0x3f: {  	_ =	shalt  }
0x40: {  	_ =	shalt  }
0x41: {  	_ =	shalt  }
0x42: {  	_ =	shalt  }
0x43: {  	_ =	shalt  }
0x44: {  	_ =	shalt  }
0x45: {  	_ =	shalt  }
0x46: {  	_ =	shalt  }
0x47: {  	_ =	shalt  }
0x48: {  	_ =	shalt  }
0x49: {  	_ =	shalt  }
0x4a: {  	_ =	shalt  }
0x4b: {  	_ =	shalt  }
0x4c: {  	_ =	shalt  }
0x4d: {  	_ =	shalt  }
0x4e: {  	_ =	shalt  }
0x4f: {  	_ =	shalt  }
0x50: {  	_ =	shalt  }
0x51: {  	_ =	shalt  }
0x52: {  	_ =	shalt  }
0x53: {  	_ =	shalt  }
0x54: {  	_ =	shalt  }
0x55: {  	_ =	shalt  }
0x56: {  	_ =	shalt  }
0x57: {  	_ =	shalt  }
0x58: {  	_ =	shalt  }
0x59: {  	_ =	shalt  }
0x5a: {  	_ =	shalt  }
0x5b: {  	_ =	shalt  }
0x5c: {  	_ =	shalt  }
0x5d: {  	_ =	shalt  }
0x5e: {  	_ =	shalt  }
0x5f: {  	_ =	shalt  }
0x60: {  	_ =	shalt  }
0x61: {  	_ =	shalt  }
0x62: {  	_ =	shalt  }
0x63: {  	_ =	shalt  }
0x64: {  	_ =	shalt  }
0x65: {  	_ =	shalt  }
0x66: {  	_ =	shalt  }
0x67: {  	_ =	shalt  }
0x68: {  	_ =	shalt  }
0x69: {  	_ =	shalt  }
0x6a: {  	_ =	shalt  }
0x6b: {  	_ =	shalt  }
0x6c: {  	_ =	shalt  }
0x6d: {  	_ =	shalt  }
0x6e: {  	_ =	shalt  }
0x6f: {  	_ =	shalt  }
0x70: {  	_ =	shalt  }
0x71: {  	_ =	shalt  }
0x72: {  	_ =	shalt  }
0x73: {  	_ =	shalt  }
0x74: {  	_ =	shalt  }
0x75: {  	_ =	shalt  }
0x76: {  	_ =	shalt  }
0x77: {  	_ =	shalt  }
0x78: {  	_ =	shalt  }
0x79: {  	_ =	shalt  }
0x7a: {  	_ =	shalt  }
0x7b: {  	_ =	shalt  }
0x7c: {  	_ =	shalt  }
0x7d: {  	_ =	shalt  }
0x7e: {  	_ =	shalt  }
0x7f: {  	_ =	shalt  }
0x80: {  	_ =	shalt  }
0x81: {  	_ =	shalt  }
0x82: {  	_ =	shalt  }
0x83: {  	_ =	shalt  }
0x84: {  	_ =	shalt  }
0x85: {  	_ =	shalt  }
0x86: {  	_ =	shalt  }
0x87: {  	_ =	shalt  }
.Lfunc_end0:
.L_simem_size_0:
called_computation_lowered:
.L_overlay_start_0:
0x88: {  	s2 =	sld [smem:$0x3FD9]  }
0x89: {  	s3 =	sld [smem:$0x3FFE];
	_ =	sdelay $0x1  }
0x8a: {  	s1 =	srdreg.scid  }
0x8b: {  	s0 =	sand.u32 $0x1, s1  }
0x8c: {  	s17 =	sshll.u32 s0, $0xA;
	s2 =	sadd.s32 s3, s2  }
0x8d: {  	s2 =	sadd.s32 s2, s17  }
0x8e: {  	[smem:$0x3FC0] =	sst s2  }
0x8f: {  	_ = 	snop  }
0x90: {  	s2 =	sld [smem:$0x3FC9]  }
0x91: {  	s18 =	sld [smem:$0x3FD0];
	(tm) =	ssettm $0x1  }
0x92: {  	s4 =	sld [smem:$0x3FFB];
	_ =	sdelay $0x3  }
0x93: {  	_ =	strace s4  }
0x94: {  	s4 =	sld [smem:$0x3FFC];
	_ =	sdelay $0x3  }
0x95: {  	_ =	strace s4  }
0x96: {  	s4 =	sld [smem:$0x3FFD];
	_ =	sdelay $0x3  }
0x97: {  	_ =	strace s4  }
0x98: {  	_ =	strace $0x8FFFFFFF  }
0x99: {  	s19 =	sld [smem:$0x3FDB];
	_ =	sdelay $0x1  }
0x9a: {  	s5 =	simm.s32 $_scs_section_size  }
0x9b: {  	s6 =	simm.s32 $_size__tile_overlayer_lowered;
	s7 =	simm.s32 $_tile_overlayer_lowered  }
0x9c: {  	s22 =	simm.s32 $0x1BFF;
	s21 =	sshll.u32 s7, $0x1;
	s4 =	sadd.s32 s5, s19  }
0x9d: {  	s8 =	simm.s32 $0x0;
	s20 =	sshll.u32 s6, $0x1;
	s6 =	sadd.s32 s21, s4  }
0x9e: {  	[timem:s8], [sflag:s22] =	dma.local [hbm:s6], s20  }
0x9f: {  	_ =	swait.ge [sflag:s22], s20  }
0xa0: {  	s5 =	ssub.s32 $0x0, s20;
	[sflag:s22] =	ssyncset.done $0x0  }
0xa1: {  	[sflag:s22] =	ssyncadd.s32 s5;
	_ =	sdelay $0x1  }
0xa2: {  	s23 =	simm.s32 $0x1B8B  }
0xa3: {  	_ =	swait.ge [sflag:s23], $0x1  }
0xa4: {  	[sflag:s23] =	ssyncset.done $0x0  }
0xa5: {  	s25 =	simm.s32 $0x1B8E;
	s24 =	sld [smem:$0x3FFE];
	[sflag:s23] =	ssyncadd.s32 $0xFFFFFFFF  }
0xa6: {  	s26 =	simm.s32 $execute0_lowered;
	[smem:$0x3FD2] =	sst s25  }
0xa7: {  	s6 =	sshll.u32 s26, $0x1;
	_ =	strace $0x80000046;
	[dreg:$0x1] =	wrdreg $0xFFFFFFFF  }
0xa8: {  	s28 =	simm.s32 $_size_execute0_lowered;
	s4 =	sadd.s32 s4, s6;
	[dreg:$0x0] =	wrdreg $0x0  }
0xa9: {  	s6 =	sshll.u32 s28, $0x1;
	[dreg:$0x2] =	wrdreg s4  }
0xaa: {  	[dreg:$0x3] =	wrdreg s6  }
0xab: {  	[dreg:$0x4] =	wrdreg $0xC0  }
0xac: {  	_ =	task [dreg:s8], $0x5FFFF  }
0xad: {  	[dreg:$0x1] =	wrdreg $0xFFFFFFFF  }
0xae: {  	[dreg:$0x0] =	wrdreg $0x60  }
0xaf: {  	[dreg:$0x2] =	wrdreg s2  }
0xb0: {  	[dreg:$0x3] =	wrdreg s18  }
0xb1: {  	[dreg:$0x4] =	wrdreg s24  }
0xb2: {  	[dreg:$0x5] =	wrdreg $0xAA000  }
0xb3: {  	[dreg:$0x6] =	wrdreg $0x9  }
0xb4: {  	_ =	task.clear_ibuf [dreg:s8], $0x7FFFF;
	_ =	strace $0x90000046  }
0xb5: {  	s29 =	simm.s32 $0x9;
	_ =	strace $0x80000048  }
0xb6: {  	_ =	swait.ge [sflag:s29], $0x1  }
0xb7: {  	[sflag:s29] =	ssyncadd.s32 $0xFFFFFFFF  }
0xb8: {  	_ =	strace $0x90000048  }
0xb9: {  	_ =	sfence  }
0xba: {  	s30 =	sld [smem:$0x0];
	_ =	sdelay $0x2  }
0xbb: {  	s31 =	sshll.u32 s1, $0xD;
	s1 =	sshrl.u32 s1, $0x2  }
0xbc: {  	s3 =	sand.u32 $0x4000, s31;
	s1 =	sadd.s32 s1, s30  }
0xbd: {  	s0 =	sor.u32 s3, s0;
	s1 =	sshll.u32 s1, $0x11  }
0xbe: {  	s0 =	sor.u32 s1, s0  }
0xbf: {  	s0 =	sadd.s32 $0x8F2B, s0  }
0xc0: {  	[sflag:s0] =	ssyncadd.remote.s32 $0x1  }
0xc1: {  	_ =	sfence.sel $0xFFFF  }
0xc2: {  	[dreg:$0x0] =	wrdreg $0xFFFFFFFF;
	(pc) =	sbr.abs _section_cstart, $3  }
0xc3: {  	[dreg:$0x1] =	wrdreg $0xFFFFFFFF  }
0xc4: {  	_ =	task.clear_ibuf [dreg:s8], $0x2FFFF;
	_ =	strace $0x9FFFFFFF  }
0xc5: {  	(tm) =	ssettm $0x7FFFFFFF  }
tec
execute0_lowered:
.L_overlay_start_1:
0x0: {  	(tag) =	ssettag $0x1  }
0x1: {  	s1 =	rddreg [dreg:$0x0];
	s0 =	srdreg.scid  }
0x2: {  	s15 =	stileid.u32;
	s2 =	rddreg [dreg:$0x1]  }
0x3: {  	s5 =	rddreg [dreg:$0x2];
	s28 =	simm.s32 $0x80;
	s7 =	smul.u32 $0x280, s15  }
0x4: {  	s29 =	simm.s32 $0x2A00;
	s30 =	simm.s32 $0x2980;
	s12 =	smul.u32 $0x50000, s15  }
0x5: {  	s31 =	simm.s32 $0x3;
	s0 =	sand.u32 $0x1, s0;
	s14 =	smul.u32 $0x2800, s15  }
0x6: {  	s3 =	sshll.u32 s15, $0x1;
	s10 =	sadd.s32 $0xDA00, s5;
	s26 =	smul.u32 $0x5000, s15  }
0x7: {  	s4 =	sor.u32 s0, s3;
	s3 =	rddreg [dreg:$0x3];
	s8 =	smul.u32 $0x2800, s0  }
0x8: {  	s0 =	ssub.s32 $0x2, s0;
	s6 =	smul.u32 $0x2800, s4;
	s4 =	simm.s32 $0x0  }
0x9: {  	s13 =	sshrl.u32 s0, $0x1;
	s22 =	sshrl.u32 s12, $0x2;
	s23 =	sadd.s32 s10, s14  }
0xa: {  	s24 =	sadd.s32 $0x140, s7;
	[smem:$0x7FF] =	sst s4;
	s11 =	sadd.s32 s7, s8  }
0xb: {  	s0 =	ssub.s32 s0, s13;
	s7 =	sshll.u32 s15, $0x6;
	s25 =	sshll.u32 s24, $0x7  }
0xc: {  	s17 =	sadd.s32 s8, s26;
	s6 =	sshrl.u32 s6, $0x3;
	_ =	strace $0x80000047  }
0xd: {  	s11 =	sshll.u32 s11, $0x4;
	[dreg:$0x6] =	wrdreg s23;
	s15 =	sor.u32 $0x1C03, s7  }
0xe: {  	s12 =	sadd.s32 s25, s3;
	s20 =	sor.u32 $0x380, s17;
	s0 =	smax.u32 s0, $0x1  }
0xf: {  	s23 =	sor.u32 $0x300, s17;
	s9 =	sadd.s32 s6, s5;
	s5 =	sadd.s32 s11, s5  }
0x10: {  	s11 =	sadd.s32 s22, s3;
	[dreg:$0x7] =	wrdreg s15;
	s16 =	sadd.s32 s2, s6  }
0x11: {  	s8 =	sshrl.u32 s20, $0x3;
	[dreg:$0xf] =	wrdreg s0;
	s6 =	sor.u32 $0x200, s17  }
0x12: {  	s0 =	sshrl.u32 s23, $0x3;
	s26 =	sshrl.u32 s12, $0x3;
	[dreg:$0x5] =	wrdreg s11  }
0x13: {  	s23 =	simm.s32 $0x2880;
	s12 =	simm.s32 $0x0;
	[dreg:$0x9] =	wrdreg s16  }
0x14: {  	s11 =	sshll.u32 s24, $0x4;
	s18 =	sadd.s32 $0x10, s16;
	[dreg:$0x13] =	wrdreg s26  }
0x15: {  	s19 =	sadd.s32 $0x20, s16;
	s9 =	sadd.s32 $0x3A00, s9;
	[dreg:$0xa] =	wrdreg s18  }
0x16: {  	s21 =	sadd.s32 $0x30, s16;
	s5 =	sadd.s32 $0x35A00, s5;
	[dreg:$0xb] =	wrdreg s19  }
0x17: {  	s22 =	sadd.s32 s8, s2;
	s24 =	sor.u32 $0x280, s17;
	[dreg:$0xc] =	wrdreg s9  }
0x18: {  	s6 =	sshrl.u32 s6, $0x3;
	s0 =	sadd.s32 s0, s2;
	[dreg:$0xd] =	wrdreg s21  }
0x19: {  	s26 =	simm.s32 $0x5;
	s8 =	simm.s32 $0x7;
	[dreg:$0xe] =	wrdreg s5  }
0x1a: {  	s10 =	sadd.s32 s10, s11;
	[dreg:$0x10] =	wrdreg s22;
	s5 =	sshrl.u32 s24, $0x3  }
.Ltmp0:
0x1b: {  	[dreg:$0x11] =	wrdreg s0;
	s14 =	sadd.s32 s6, s2;
	(pc) =	sbr.rel .LBB2_1-.Ltmp0, $4  }
0x1c: {  	s22 =	simm.s32 $0x2800;
	s24 =	simm.s32 $0x2900;
	s0 =	simm.s32 $0x6  }
0x1d: {  	s6 =	simm.s32 $0x1;
	s9 =	simm.s32 $0x2;
	s11 =	simm.s32 $0x8  }
0x1e: {  	[dreg:$0x8] =	wrdreg s10;
	s25 =	sadd.s32 s5, s2;
	s2 =	simm.s32 $0x4  }
0x1f: {  	s5 =	simm.s32 $0x6A00;
	[dreg:$0x12] =	wrdreg s25;
	s25 =	simm.s32 $0x9  }
.LBB2_4:
0x20: {  	_ =	swait.ge [sflag:s9], $0x4000  }
0x21: {  	[sflag:s9] =	ssyncset.done $0x0  }
0x22: {  	[sflag:s9] =	ssyncadd.s32 $0xFFFFC000  }
0x23: {  	[spmem:s3] =	stream.indirect.scatter.add.f32 [tilespmem:s5], [sflag:$0x4], $0x80, s16, s28, $0xb8;
	[tilespmem:$0x1EA00] =	vst v63  }
0x24: {  	_ =	swait.ge [sflag:s31], $0x4000  }
0x25: {  	[sflag:s31] =	ssyncset.done $0x0  }
0x26: {  	[sflag:s31] =	ssyncadd.s32 $0xFFFFC000  }
0x27: {  	_ =	swait.ge [sflag:s2], $0x4000  }
0x28: {  	[sflag:s2] =	ssyncset.done $0x0  }
0x29: {  	[sflag:s2] =	ssyncadd.s32 $0xFFFFC000  }
0x2a: {  	[bflag:$0x0] =	sbarrier.arrive $0xFFFF  }
0x2b: {  	s10 =	sor.u32 $0x1C09, s7;
	s15 =	rddreg [dreg:$0xe]  }
0x2c: {  	[hbm:s15], [sflag:s10] =	dma.local [spmem:s13], $0x2800  }
0x2d: {  	_ =	swait.ge [sflag:s25], $0x2800  }
0x2e: {  	s12 =	sadd.s32 $0x1, s12;
	s21 =	rddreg [dreg:$0xf]  }
0x2f: {  	p0 =	sne.s32 s12, s21  }
.Ltmp1:
0x30: {  	_ = 	snop;
	(pc) =	sbr.rel @!p0 .LBB2_5-.Ltmp1, $3  }
0x31: {  	_ =	sdelay $0x1  }
0x32: {  	[sflag:s25] =	ssyncset.done $0x0  }
0x33: {  	[sflag:s25] =	ssyncadd.s32 $0xFFFFD800  }
.LBB2_1:
0x34: {  	s10 =	rddreg [dreg:$0x5]  }
0x35: {  	s16 =	rddreg [dreg:$0x6]  }
0x36: {  	s15 =	rddreg [dreg:$0x7];
	s13 =	sshrl.u32 s10, $0x3  }
0x37: {  	[spmem:s13], [sflag:s15] =	dma.local [hbm:s16], $0x1400  }
0x38: {  	s15 =	rddreg [dreg:$0x8]  }
0x39: {  	s17 =	sor.u32 $0x1C04, s7;
	s16 =	rddreg [dreg:$0x13]  }
0x3a: {  	[spmem:s16], [sflag:s17] =	dma.local [hbm:s15], $0x1400  }
0x3b: {  	s10 =	rddreg [dreg:$0x9]  }
0x3c: {  	[tilespmem:s22], [sflag:$0x5] =	stream.linear.gather [hbm4b:s10+s4], $0x80, $0x38;
	[tilespmem:$0x1EA00] =	vst v63  }
0x3d: {  	s18 =	rddreg [dreg:$0xa]  }
0x3e: {  	[tilespmem:s23], [sflag:$0x6] =	stream.linear.gather [hbm4b:s18+s4], $0x80, $0x38;
	[tilespmem:$0x1EA00] =	vst v63  }
0x3f: {  	s19 =	rddreg [dreg:$0xb]  }
0x40: {  	[tilespmem:s24], [sflag:$0x7] =	stream.linear.gather [hbm4b:s19+s4], $0x80, $0x38;
	[tilespmem:$0x1EA00] =	vst v63  }
0x41: {  	s20 =	rddreg [dreg:$0xc]  }
0x42: {  	[tilespmem:s4], [sflag:$0x9] =	stream.linear.gather [hbm4b:s20+s4], $0x2800, $0x38;
	[tilespmem:$0x1EA00] =	vst v63  }
0x43: {  	_ =	swait.ge [sflag:s25], $0x2800  }
0x44: {  	[sflag:s25] =	ssyncset.done $0x0  }
0x45: {  	[sflag:s25] =	ssyncadd.s32 $0xFFFFD800  }
0x46: {  	_ =	swait.ge [sflag:s26], $0x80  }
0x47: {  	[sflag:s26] =	ssyncset.done $0x0  }
0x48: {  	[sflag:s26] =	ssyncadd.s32 $0xFFFFFF80  }
0x49: {  	[tilespmem:s29], [sflag:$0x1] =	stream.indirect.gather [hbm4b:s1+s28], $0x80, s22, s28, $0xb8;
	[tilespmem:$0x1EA00] =	vst v63  }
0x4a: {  	s21 =	rddreg [dreg:$0xd]  }
0x4b: {  	[tilespmem:s30], [sflag:$0x8] =	stream.linear.gather [hbm4b:s21+s4], $0x80, $0x38;
	[tilespmem:$0x1EA00] =	vst v63  }
0x4c: {  	_ =	swait.ge [sflag:s31], $0x1400  }
0x4d: {  	[sflag:s31] =	ssyncset.done $0x0  }
0x4e: {  	[sflag:s31] =	ssyncadd.s32 $0xFFFFEC00  }
0x4f: {  	_ =	swait.ge [sflag:s2], $0x1400  }
0x50: {  	[sflag:s2] =	ssyncset.done $0x0  }
0x51: {  	[sflag:s2] =	ssyncadd.s32 $0xFFFFEC00  }
0x52: {  	[bflag:$0x0] =	sbarrier.arrive $0xFFFF  }
0x53: {  	s19 =	rddreg [dreg:$0x12]  }
0x54: {  	s18 =	rddreg [dreg:$0x11]  }
0x55: {  	s10 =	simm.s32 $0x0;
	s20 =	smov.u32 s14;
	s17 =	rddreg [dreg:$0x10]  }
.LBB2_2:
0x56: {  	p0 =	seq.s32 s10, $0x0  }
0x57: {  	s16 =	simm.s32 @!p0 $0x4  }
0x58: {  	_ =	swait.ge @!p0 [sflag:s16], $0x4000  }
0x59: {  	[sflag:s16] =	ssyncset.done @!p0 $0x0  }
0x5a: {  	[sflag:s16] =	ssyncadd.s32 @!p0 $0xFFFFC000  }
0x5b: {  	_ =	swait.ge [sflag:s0], $0x80  }
0x5c: {  	[sflag:s0] =	ssyncset.done $0x0  }
0x5d: {  	[sflag:s0] =	ssyncadd.s32 $0xFFFFFF80  }
0x5e: {  	[tilespmem:s5], [sflag:$0x2] =	stream.indirect.gather [hbm4b:s1+s28], $0x80, s23, s28, $0xb8;
	[tilespmem:$0x1EA00] =	vst v63  }
0x5f: {  	_ =	swait.ge [sflag:s6], $0x4000  }
0x60: {  	[sflag:s6] =	ssyncset.done $0x0  }
0x61: {  	s16 =	sshra.s32 s10, $0x2;
	p0 =	seq.s32 s10, $0x9800;
	[sflag:s6] =	ssyncadd.s32 $0xFFFFC000  }
0x62: {  	[spmem:s3] =	stream.indirect.scatter.add.f32 [tilespmem:s29], [sflag:$0x3], $0x80, s16, s28, $0xb8;
	[tilespmem:$0x1EA00] =	vst v63  }
0x63: {  	s15 =	simm.s32 @!p0 $0x0;
	s21 =	simm.s32 @!p0 $0x2800  }
0x64: {  	[tilespmem:s21], [sflag:$0x5] =	stream.linear.gather @!p0 [hbm4b:s20+s15], $0x80, $0x38;
	[tilespmem:$0x1EA00] =	vst v63  }
0x65: {  	_ =	swait.ge [sflag:s31], $0x4000  }
0x66: {  	[sflag:s31] =	ssyncset.done $0x0  }
0x67: {  	[sflag:s31] =	ssyncadd.s32 $0xFFFFC000  }
0x68: {  	_ =	swait.ge [sflag:s8], $0x80  }
0x69: {  	[sflag:s8] =	ssyncset.done $0x0  }
0x6a: {  	[sflag:s8] =	ssyncadd.s32 $0xFFFFFF80  }
0x6b: {  	[tilespmem:s29], [sflag:$0x1] =	stream.indirect.gather [hbm4b:s1+s28], $0x80, s24, s28, $0xb8;
	[tilespmem:$0x1EA00] =	vst v63  }
0x6c: {  	_ =	swait.ge [sflag:s9], $0x4000  }
0x6d: {  	[sflag:s9] =	ssyncset.done $0x0  }
0x6e: {  	s21 =	sadd.s32 $0x80, s16;
	[sflag:s9] =	ssyncadd.s32 $0xFFFFC000  }
0x6f: {  	[spmem:s3] =	stream.indirect.scatter.add.f32 [tilespmem:s5], [sflag:$0x4], $0x80, s21, s28, $0xb8;
	[tilespmem:$0x1EA00] =	vst v63  }
0x70: {  	s21 =	simm.s32 @!p0 $0x2880  }
0x71: {  	[tilespmem:s21], [sflag:$0x6] =	stream.linear.gather @!p0 [hbm4b:s19+s15], $0x80, $0x38;
	[tilespmem:$0x1EA00] =	vst v63  }
0x72: {  	_ =	swait.ge [sflag:s2], $0x4000  }
0x73: {  	[sflag:s2] =	ssyncset.done $0x0  }
0x74: {  	[sflag:s2] =	ssyncadd.s32 $0xFFFFC000  }
0x75: {  	_ =	swait.ge [sflag:s11], $0x80  }
0x76: {  	[sflag:s11] =	ssyncset.done $0x0  }
0x77: {  	[sflag:s11] =	ssyncadd.s32 $0xFFFFFF80  }
0x78: {  	[tilespmem:s5], [sflag:$0x2] =	stream.indirect.gather [hbm4b:s1+s28], $0x80, s30, s28, $0xb8;
	[tilespmem:$0x1EA00] =	vst v63  }
.Ltmp2:
0x79: {  	_ = 	snop;
	(pc) =	sbr.rel @p0 .LBB2_4-.Ltmp2, $4  }
0x7a: {  	_ =	swait.ge [sflag:s6], $0x4000  }
0x7b: {  	[sflag:s6] =	ssyncset.done $0x0  }
0x7c: {  	s21 =	sadd.s32 $0x100, s16;
	s16 =	sadd.s32 $0x180, s16;
	[sflag:s6] =	ssyncadd.s32 $0xFFFFC000  }
0x7d: {  	[spmem:s3] =	stream.indirect.scatter.add.f32 [tilespmem:s29], [sflag:$0x3], $0x80, s21, s28, $0xb8;
	[tilespmem:$0x1EA00] =	vst v63  }
0x7e: {  	[tilespmem:s24], [sflag:$0x7] =	stream.linear.gather [hbm4b:s18+s4], $0x80, $0x38;
	[tilespmem:$0x1EA00] =	vst v63  }
0x7f: {  	_ =	swait.ge [sflag:s31], $0x4000  }
0x80: {  	[sflag:s31] =	ssyncset.done $0x0  }
0x81: {  	[sflag:s31] =	ssyncadd.s32 $0xFFFFC000  }
0x82: {  	_ =	swait.ge [sflag:s26], $0x80  }
0x83: {  	[sflag:s26] =	ssyncset.done $0x0  }
0x84: {  	[sflag:s26] =	ssyncadd.s32 $0xFFFFFF80  }
0x85: {  	[tilespmem:s29], [sflag:$0x1] =	stream.indirect.gather [hbm4b:s1+s28], $0x80, s22, s28, $0xb8;
	[tilespmem:$0x1EA00] =	vst v63  }
0x86: {  	_ =	swait.ge [sflag:s9], $0x4000  }
0x87: {  	[sflag:s9] =	ssyncset.done $0x0  }
.Ltmp3:
0x88: {  	[sflag:s9] =	ssyncadd.s32 $0xFFFFC000;
	(pc) =	sbr.rel .LBB2_2-.Ltmp3, $4  }
0x89: {  	[spmem:s3] =	stream.indirect.scatter.add.f32 [tilespmem:s5], [sflag:$0x4], $0x80, s16, s28, $0xb8;
	[tilespmem:$0x1EA00] =	vst v63  }
0x8a: {  	s10 =	sadd.s32 $0x800, s10;
	s18 =	sadd.s32 $0x40, s18  }
0x8b: {  	[tilespmem:s30], [sflag:$0x8] =	stream.linear.gather [hbm4b:s17+s4], $0x80, $0x38;
	[tilespmem:$0x1EA00] =	vst v63  }
0x8c: {  	s19 =	sadd.s32 $0x40, s19;
	s20 =	sadd.s32 $0x40, s20;
	s17 =	sadd.s32 $0x40, s17  }
.LBB2_5:
0x8d: {  	_ =	sfence.sel $0x180000  }
0x8e: {  	[bflag:$0x0] =	sbarrier.arrive $0xFFFF  }
0x8f: {  	_ =	strace $0x90000047  }
0x90: {  	s0 =	stileid.u32;
	[bflag:$0x2] =	sbarrier.arrive $0xFFFF  }
0x91: {  	p0 =	sne.s32 s0, $0x0;
	s0 =	rddreg [dreg:$0x4]  }
0x92: {  	s0 =	sadd.s32 @!p0 $0x100000, s0  }
0x93: {  	[sflag:s0] =	ssyncadd.tile.s32 @!p0 $0x1;
	_ =	shalt  }
.Lfunc_end2:
_tile_overlayer_lowered:
.L_overlay_start_2:
0x94: {  	(tag) =	ssettag $0x2  }
0x95: {  	s0 =	rddreg [dreg:$0x0];
	s2 =	stileid.u32  }
0x96: {  	s1 =	rddreg [dreg:$0x1];
	p0 =	sne.s32 s2, $0x0  }
0x97: {  	s3 =	rddreg [dreg:$0x2];
	[bflag:$0x3] =	sbarrier.arrive $0xFFFF;
	s2 =	simm.s32 @!p0 $0x1C09  }
0x98: {  	[timem:s3], [sflag:s2] =	dma.local @!p0 [hbm:s0], s1  }
0x99: {  	s0 =	simm.s32 @!p0 $0x9  }
0x9a: {  	_ =	swait.ge @!p0 [sflag:s0], s1  }
0x9b: {  	s1 =	ssub.s32 @!p0 $0x0, s1;
	[sflag:s0] =	ssyncset.done @!p0 $0x0  }
0x9c: {  	[sflag:s0] =	ssyncadd.s32 @!p0 s1  }
0x9d: {  	[bflag:$0x3] =	sbarrier.arrive $0xFFFF  }
0x9e: {  	_ =	shalt  }

</sc_bundles>
